<compile_context>
chip_gen: v7x
topology: tpu7x:2x2x1
jax: 0.10.2.dev20260603
libtpu: 0.0.44.dev20260713+nightly
codegen_flags: <defaults>
</compile_context>

<pallas_src>
import jax
import jax.numpy as jnp
from jax import lax
from jax.experimental import pallas as pl
from jax.experimental.pallas import tpu as pltpu
from jax.experimental.pallas import tpu_sc as plsc

_N = 10000
_E = 320000
_D_FEAT = 128
_HIDDEN = 32
_MLP_H = 64
_D_EDGE = 16

_NC = 2
_NS = 16
_NW = _NC * _NS
_EW = _E // _NW
_CB = 128
_NFULL = _EW // _CB
_REM = _EW - _NFULL * _CB
_NSLOT = 3

_BE = 12800
_BP = _BE // 4


def _encode_body(x_ref, wnet_ref, bne_ref, z_ref):
    z_ref[...] = (
        jnp.dot(x_ref[...], wnet_ref[...], preferred_element_type=jnp.float32)
        + bne_ref[...]
    )


def _sc_gather_body(z_ref, ei_ref, gs_ref, gd_ref,
                    idx_s, idx_d, rows_s, rows_d,
                    sem_s0, sem_s1, sem_s2, sem_d0, sem_d1, sem_d2):
    wid = lax.axis_index("s") * _NC + lax.axis_index("c")
    base0 = wid * _EW
    sems_s = (sem_s0, sem_s1, sem_s2)
    sems_d = (sem_d0, sem_d1, sem_d2)

    pltpu.sync_copy(ei_ref.at[0, pl.ds(base0, _EW)], idx_s)
    pltpu.sync_copy(ei_ref.at[1, pl.ds(base0, _EW)], idx_d)

    for k in range(_NSLOT):
        pltpu.async_copy(z_ref.at[idx_s.at[pl.ds(k * _CB, _CB)]],
                         rows_s.at[k], sems_s[k])
        pltpu.async_copy(z_ref.at[idx_d.at[pl.ds(k * _CB, _CB)]],
                         rows_d.at[k], sems_d[k])

    def body(i, carry):
        for k in range(_NSLOT):
            c = i * _NSLOT + k
            pltpu.make_async_copy(z_ref.at[idx_s.at[pl.ds(c * _CB, _CB)]],
                                  rows_s.at[k], sems_s[k]).wait()
            pltpu.make_async_copy(z_ref.at[idx_d.at[pl.ds(c * _CB, _CB)]],
                                  rows_d.at[k], sems_d[k]).wait()
            wb_s = pltpu.async_copy(
                rows_s.at[k], gs_ref.at[pl.ds(base0 + c * _CB, _CB)], sems_s[k])
            wb_d = pltpu.async_copy(
                rows_d.at[k], gd_ref.at[pl.ds(base0 + c * _CB, _CB)], sems_d[k])
            wb_s.wait()
            wb_d.wait()

            @pl.when(c + _NSLOT < _NFULL)
            def _():
                nc = c + _NSLOT
                pltpu.async_copy(z_ref.at[idx_s.at[pl.ds(nc * _CB, _CB)]],
                                 rows_s.at[k], sems_s[k])
                pltpu.async_copy(z_ref.at[idx_d.at[pl.ds(nc * _CB, _CB)]],
                                 rows_d.at[k], sems_d[k])
        return carry

    lax.fori_loop(0, _NFULL // _NSLOT, body, 0)

    rbase = _NFULL * _CB
    pltpu.async_copy(z_ref.at[idx_s.at[pl.ds(rbase, _REM)]],
                     rows_s.at[0, pl.ds(0, _REM)], sem_s0).wait()
    pltpu.async_copy(z_ref.at[idx_d.at[pl.ds(rbase, _REM)]],
                     rows_d.at[0, pl.ds(0, _REM)], sem_d0).wait()
    pltpu.sync_copy(rows_s.at[0, pl.ds(0, _REM)],
                    gs_ref.at[pl.ds(base0 + rbase, _REM)])
    pltpu.sync_copy(rows_d.at[0, pl.ds(0, _REM)],
                    gd_ref.at[pl.ds(base0 + rbase, _REM)])


def _mlp_body(gsp_ref, gdp_ref, eap_ref, w1a_ref, w1b_ref, w1c_ref,
              b1r_ref, w2t_ref, b2_ref, out_ref):
    h = jnp.dot(gsp_ref[...], w1a_ref[...], preferred_element_type=jnp.float32)
    h = h + jnp.dot(gdp_ref[...], w1b_ref[...], preferred_element_type=jnp.float32)
    h = h + jnp.dot(eap_ref[...], w1c_ref[...], preferred_element_type=jnp.float32)
    h = jnp.maximum(h + b1r_ref[...], 0.0)
    logit = jax.lax.dot_general(
        w2t_ref[...], h, (((1,), (1,)), ((), ())),
        preferred_element_type=jnp.float32,
    )
    out_ref[...] = jax.nn.sigmoid(logit + b2_ref[0, 0])


def kernel(x, edge_index, edge_attr, W_ne, b_ne, W1, b1, W2, b2):
    bn = 1000
    z = pl.pallas_call(
        _encode_body,
        grid=(_N // bn,),
        in_specs=[
            pl.BlockSpec((bn, _D_FEAT), lambda i: (i, 0)),
            pl.BlockSpec((_D_FEAT, _HIDDEN), lambda i: (0, 0)),
            pl.BlockSpec((1, _HIDDEN), lambda i: (0, 0)),
        ],
        out_specs=pl.BlockSpec((bn, _HIDDEN), lambda i: (i, 0)),
        out_shape=jax.ShapeDtypeStruct((_N, _HIDDEN), jnp.float32),
    )(x, W_ne.T, b_ne.reshape(1, _HIDDEN))

    mesh = plsc.VectorSubcoreMesh(core_axis_name="c", subcore_axis_name="s")
    gs, gd = pl.kernel(
        _sc_gather_body,
        out_type=(
            jax.ShapeDtypeStruct((_E, _HIDDEN), jnp.float32),
            jax.ShapeDtypeStruct((_E, _HIDDEN), jnp.float32),
        ),
        mesh=mesh,
        compiler_params=pltpu.CompilerParams(use_tc_tiling_on_sc=False),
        scratch_types=[
            pltpu.VMEM((_EW,), jnp.int32),
            pltpu.VMEM((_EW,), jnp.int32),
            pltpu.VMEM((_NSLOT, _CB, _HIDDEN), jnp.float32),
            pltpu.VMEM((_NSLOT, _CB, _HIDDEN), jnp.float32),
            pltpu.SemaphoreType.DMA,
            pltpu.SemaphoreType.DMA,
            pltpu.SemaphoreType.DMA,
            pltpu.SemaphoreType.DMA,
            pltpu.SemaphoreType.DMA,
            pltpu.SemaphoreType.DMA,
        ],
    )(z, edge_index)

    gsp = gs.reshape(_E // 4, 128)
    gdp = gd.reshape(_E // 4, 128)
    eap = edge_attr.reshape(_E // 4, 4 * _D_EDGE)

    eye4 = jnp.eye(4, dtype=jnp.float32)
    w1a = jnp.kron(eye4, W1[:, :_HIDDEN].T)
    w1b = jnp.kron(eye4, W1[:, _HIDDEN:2 * _HIDDEN].T)
    w1c = jnp.kron(eye4, W1[:, 2 * _HIDDEN:].T)
    w2t = jnp.kron(eye4, W2)
    b1r = jnp.tile(b1, 4).reshape(1, 4 * _MLP_H)

    out4 = pl.pallas_call(
        _mlp_body,
        grid=(_E // _BE,),
        in_specs=[
            pl.BlockSpec((_BP, 128), lambda i: (i, 0)),
            pl.BlockSpec((_BP, 128), lambda i: (i, 0)),
            pl.BlockSpec((_BP, 4 * _D_EDGE), lambda i: (i, 0)),
            pl.BlockSpec((128, 256), lambda i: (0, 0)),
            pl.BlockSpec((128, 256), lambda i: (0, 0)),
            pl.BlockSpec((4 * _D_EDGE, 256), lambda i: (0, 0)),
            pl.BlockSpec((1, 256), lambda i: (0, 0)),
            pl.BlockSpec((4, 256), lambda i: (0, 0)),
            pl.BlockSpec((1, 1), lambda i: (0, 0)),
        ],
        out_specs=pl.BlockSpec((4, _BP), lambda i: (0, i)),
        out_shape=jax.ShapeDtypeStruct((4, _E // 4), jnp.float32),
    )(
        gsp, gdp, eap, w1a, w1b, w1c, b1r, w2t, b2.reshape(1, 1),
    )
    return out4.T.reshape(_E)

# --- scband reference (transcript-rebuilt; emitter-appended) ---
"""Pipeline reference for scband-edge-gnn-1176821039617 (READ-ONLY COPY).

The authoritative reference and input builder live on the scoring server;
editing this copy changes nothing except your own understanding.
"""

import jax, jax.numpy as jnp
import numpy as np

N = 10000
E = 320000
D_FEAT = 128
D_EDGE = 16
HIDDEN = 32
MLP_H = 64


def setup_inputs(seed: int = 0) -> dict:
    key = jax.random.key(seed)
    ks = jax.random.split(key, 10)
    x = jax.random.normal(ks[0], (N, D_FEAT), dtype=jnp.float32)
    edge_index = jax.random.randint(ks[1], (2, E), 0, N, dtype=jnp.int32)
    edge_attr = jax.random.normal(ks[2], (E, D_EDGE), dtype=jnp.float32)
    # node_encoder: Linear(D_FEAT -> HIDDEN)
    W_ne = jax.random.normal(ks[3], (HIDDEN, D_FEAT), dtype=jnp.float32) / np.sqrt(D_FEAT)
    b_ne = jnp.zeros((HIDDEN,), dtype=jnp.float32)
    # edge_mlp: Linear(2*HIDDEN + D_EDGE -> 64) -> ReLU -> Linear(64 -> 1)
    in1 = 2 * HIDDEN + D_EDGE
    W1 = jax.random.normal(ks[4], (MLP_H, in1), dtype=jnp.float32) / np.sqrt(in1)
    b1 = jnp.zeros((MLP_H,), dtype=jnp.float32)
    W2 = jax.random.normal(ks[5], (1, MLP_H), dtype=jnp.float32) / np.sqrt(MLP_H)
    b2 = jnp.zeros((1,), dtype=jnp.float32)
    return {"x": x, "edge_index": edge_index, "edge_attr": edge_attr,
            "W_ne": W_ne, "b_ne": b_ne, "W1": W1, "b1": b1, "W2": W2, "b2": b2}


def reference(x, edge_index, edge_attr, W_ne, b_ne, W1, b1, W2, b2):
    src = edge_index[0]
    dst = edge_index[1]
    # gather node features per edge, then encode
    x_src = jnp.take(x, src, axis=0) @ W_ne.T + b_ne
    x_dst = jnp.take(x, dst, axis=0) @ W_ne.T + b_ne
    combined = jnp.concatenate([x_src, x_dst, edge_attr], axis=1)
    h = jax.nn.relu(combined @ W1.T + b1)
    edge_logits = (h @ W2.T + b2).squeeze()
    return jax.nn.sigmoid(edge_logits)

if __name__ == "__main__":
    import jax
    _d = setup_inputs()
    print(jax.jit(kernel)(*tuple(_d.values())))

</pallas_src>

<mosaic_0001>
#map = affine_map<(d0, d1) -> (0, 0)>
module attributes {stable_mosaic.version = 14 : i64} {
  func.func @_sc_gather_body(%arg0: i32, %arg1: i32, %arg2: memref<10000x32xf32, #tpu.memory_space<hbm>>, %arg3: memref<2x320000xi32, #tpu.memory_space<hbm>>, %arg4: memref<320000x32xf32, #tpu.memory_space<hbm>>, %arg5: memref<320000x32xf32, #tpu.memory_space<hbm>>, %arg6: memref<10000xi32, #tpu.memory_space<vmem>>, %arg7: memref<10000xi32, #tpu.memory_space<vmem>>, %arg8: memref<3x128x32xf32, #tpu.memory_space<vmem>>, %arg9: memref<3x128x32xf32, #tpu.memory_space<vmem>>, %arg10: memref<!tpu.dma_semaphore, #tpu.memory_space<semaphore_mem>>, %arg11: memref<!tpu.dma_semaphore, #tpu.memory_space<semaphore_mem>>, %arg12: memref<!tpu.dma_semaphore, #tpu.memory_space<semaphore_mem>>, %arg13: memref<!tpu.dma_semaphore, #tpu.memory_space<semaphore_mem>>, %arg14: memref<!tpu.dma_semaphore, #tpu.memory_space<semaphore_mem>>, %arg15: memref<!tpu.dma_semaphore, #tpu.memory_space<semaphore_mem>>) attributes {dimension_semantics = [#tpu.dimension_semantics<core_parallel>, #tpu.dimension_semantics<subcore_parallel>], iteration_bounds = array<i64: 2, 16>, scalar_prefetch = 0 : i64, scratch_operands = 10 : i64, tpu.core_type = #tpu.core_type<sc_vector_subcore>, window_params = [{transform_indices = #map}, {transform_indices = #map}, {transform_indices = #map}, {transform_indices = #map}]} {
    %mul3A = arith.constant 2 : i32
    %mul3A_0 = arith.muli %arg1, %mul3A : i32
    %add3A = arith.addi %mul3A_0, %arg0 : i32
    %mul3A_1 = arith.constant 10000 : i32
    %mul3A_2 = arith.muli %add3A, %mul3A_1 : i32
    %run_scoped3A = arith.constant 0 : i32
    "tpu.region"() ({
      %run_scoped3A_113 = tpu.sem_alloc : memref<!tpu.dma_semaphore, #tpu.memory_space<semaphore_mem>>
      %dma_start3A_114 = tpu.memref_slice %arg3[%run_scoped3A, %mul3A_2] : memref<2x320000xi32, #tpu.memory_space<hbm>> -> memref<1x10000xi32, #tpu.memory_space<hbm>>
      %dma_start3A_115 = tpu.memref_squeeze %dma_start3A_114 : memref<1x10000xi32, #tpu.memory_space<hbm>> -> memref<10000xi32, #tpu.memory_space<hbm>>
      %dma_start3A_116 = tpu.memref_slice %arg3[%run_scoped3A, %mul3A_2] : memref<2x320000xi32, #tpu.memory_space<hbm>> -> memref<1x10000xi32, #tpu.memory_space<hbm>>
      %dma_start3A_117 = tpu.memref_squeeze %dma_start3A_116 : memref<1x10000xi32, #tpu.memory_space<hbm>> -> memref<10000xi32, #tpu.memory_space<hbm>>
      tpu.enqueue_dma source(%dma_start3A_117 : memref<10000xi32, #tpu.memory_space<hbm>>) target(%arg6 : memref<10000xi32, #tpu.memory_space<vmem>>) target_semaphore(%run_scoped3A_113 : memref<!tpu.dma_semaphore, #tpu.memory_space<semaphore_mem>>)
      %dma_wait3A_118 = tpu.memref_slice %arg3[%run_scoped3A, %mul3A_2] : memref<2x320000xi32, #tpu.memory_space<hbm>> -> memref<1x10000xi32, #tpu.memory_space<hbm>>
      %dma_wait3A_119 = tpu.memref_squeeze %dma_wait3A_118 : memref<1x10000xi32, #tpu.memory_space<hbm>> -> memref<10000xi32, #tpu.memory_space<hbm>>
      %dma_wait3A_120 = tpu.memref_slice %arg3[%run_scoped3A, %mul3A_2] : memref<2x320000xi32, #tpu.memory_space<hbm>> -> memref<1x10000xi32, #tpu.memory_space<hbm>>
      %dma_wait3A_121 = tpu.memref_squeeze %dma_wait3A_120 : memref<1x10000xi32, #tpu.memory_space<hbm>> -> memref<10000xi32, #tpu.memory_space<hbm>>
      tpu.wait_dma2 semaphore(%run_scoped3A_113 : memref<!tpu.dma_semaphore, #tpu.memory_space<semaphore_mem>>) src(%dma_wait3A_121 : memref<10000xi32, #tpu.memory_space<hbm>>) dst(%arg6 : memref<10000xi32, #tpu.memory_space<vmem>>)
      tpu.yield
    }) : () -> ()
    %run_scoped3A_3 = arith.constant 1 : i32
    "tpu.region"() ({
      %run_scoped3A_113 = tpu.sem_alloc : memref<!tpu.dma_semaphore, #tpu.memory_space<semaphore_mem>>
      %dma_start3A_114 = tpu.memref_slice %arg3[%run_scoped3A_3, %mul3A_2] : memref<2x320000xi32, #tpu.memory_space<hbm>> -> memref<1x10000xi32, #tpu.memory_space<hbm>>
      %dma_start3A_115 = tpu.memref_squeeze %dma_start3A_114 : memref<1x10000xi32, #tpu.memory_space<hbm>> -> memref<10000xi32, #tpu.memory_space<hbm>>
      %dma_start3A_116 = tpu.memref_slice %arg3[%run_scoped3A_3, %mul3A_2] : memref<2x320000xi32, #tpu.memory_space<hbm>> -> memref<1x10000xi32, #tpu.memory_space<hbm>>
      %dma_start3A_117 = tpu.memref_squeeze %dma_start3A_116 : memref<1x10000xi32, #tpu.memory_space<hbm>> -> memref<10000xi32, #tpu.memory_space<hbm>>
      tpu.enqueue_dma source(%dma_start3A_117 : memref<10000xi32, #tpu.memory_space<hbm>>) target(%arg7 : memref<10000xi32, #tpu.memory_space<vmem>>) target_semaphore(%run_scoped3A_113 : memref<!tpu.dma_semaphore, #tpu.memory_space<semaphore_mem>>)
      %dma_wait3A_118 = tpu.memref_slice %arg3[%run_scoped3A_3, %mul3A_2] : memref<2x320000xi32, #tpu.memory_space<hbm>> -> memref<1x10000xi32, #tpu.memory_space<hbm>>
      %dma_wait3A_119 = tpu.memref_squeeze %dma_wait3A_118 : memref<1x10000xi32, #tpu.memory_space<hbm>> -> memref<10000xi32, #tpu.memory_space<hbm>>
      %dma_wait3A_120 = tpu.memref_slice %arg3[%run_scoped3A_3, %mul3A_2] : memref<2x320000xi32, #tpu.memory_space<hbm>> -> memref<1x10000xi32, #tpu.memory_space<hbm>>
      %dma_wait3A_121 = tpu.memref_squeeze %dma_wait3A_120 : memref<1x10000xi32, #tpu.memory_space<hbm>> -> memref<10000xi32, #tpu.memory_space<hbm>>
      tpu.wait_dma2 semaphore(%run_scoped3A_113 : memref<!tpu.dma_semaphore, #tpu.memory_space<semaphore_mem>>) src(%dma_wait3A_121 : memref<10000xi32, #tpu.memory_space<hbm>>) dst(%arg7 : memref<10000xi32, #tpu.memory_space<vmem>>)
      tpu.yield
    }) : () -> ()
    %dma_start3A = arith.constant 0 : i32
    %dma_start3A_4 = arith.constant 0 : i32
    %dma_start3A_5 = arith.constant 0 : i32
    %dma_start3A_6 = tpu.memref_slice %arg8[%dma_start3A, %dma_start3A_4, %dma_start3A_5] : memref<3x128x32xf32, #tpu.memory_space<vmem>> -> memref<1x128x32xf32, #tpu.memory_space<vmem>>
    %dma_start3A_7 = tpu.memref_squeeze %dma_start3A_6 : memref<1x128x32xf32, #tpu.memory_space<vmem>> -> memref<128x32xf32, #tpu.memory_space<vmem>>
    %dma_start3A_8 = arith.constant 0 : i32
    %dma_start3A_9 = tpu.memref_slice %arg6[%dma_start3A_8] : memref<10000xi32, #tpu.memory_space<vmem>> -> memref<128xi32, #tpu.memory_space<vmem>>
    %dma_start3A_10 = arith.constant 0 : i32
    %dma_start3A_11 = arith.constant 0 : i32
    %dma_start3A_12 = tpu.memref_slice %arg2[%dma_start3A_10, %dma_start3A_11] : memref<10000x32xf32, #tpu.memory_space<hbm>> -> memref<10000x32xf32, #tpu.memory_space<hbm>>
    tpu.enqueue_indirect_dma source(%dma_start3A_12 : memref<10000x32xf32, #tpu.memory_space<hbm>>) target(%dma_start3A_7 : memref<128x32xf32, #tpu.memory_space<vmem>>) offsets(%dma_start3A_9 : memref<128xi32, #tpu.memory_space<vmem>>) semaphore(%arg10 : memref<!tpu.dma_semaphore, #tpu.memory_space<semaphore_mem>>)
    %dma_start3A_13 = arith.constant 0 : i32
    %dma_start3A_14 = arith.constant 0 : i32
    %dma_start3A_15 = arith.constant 0 : i32
    %dma_start3A_16 = tpu.memref_slice %arg9[%dma_start3A_13, %dma_start3A_14, %dma_start3A_15] : memref<3x128x32xf32, #tpu.memory_space<vmem>> -> memref<1x128x32xf32, #tpu.memory_space<vmem>>
    %dma_start3A_17 = tpu.memref_squeeze %dma_start3A_16 : memref<1x128x32xf32, #tpu.memory_space<vmem>> -> memref<128x32xf32, #tpu.memory_space<vmem>>
    %dma_start3A_18 = arith.constant 0 : i32
    %dma_start3A_19 = tpu.memref_slice %arg7[%dma_start3A_18] : memref<10000xi32, #tpu.memory_space<vmem>> -> memref<128xi32, #tpu.memory_space<vmem>>
    %dma_start3A_20 = arith.constant 0 : i32
    %dma_start3A_21 = arith.constant 0 : i32
    %dma_start3A_22 = tpu.memref_slice %arg2[%dma_start3A_20, %dma_start3A_21] : memref<10000x32xf32, #tpu.memory_space<hbm>> -> memref<10000x32xf32, #tpu.memory_space<hbm>>
    tpu.enqueue_indirect_dma source(%dma_start3A_22 : memref<10000x32xf32, #tpu.memory_space<hbm>>) target(%dma_start3A_17 : memref<128x32xf32, #tpu.memory_space<vmem>>) offsets(%dma_start3A_19 : memref<128xi32, #tpu.memory_space<vmem>>) semaphore(%arg13 : memref<!tpu.dma_semaphore, #tpu.memory_space<semaphore_mem>>)
    %dma_start3A_23 = arith.constant 1 : i32
    %dma_start3A_24 = arith.constant 0 : i32
    %dma_start3A_25 = arith.constant 0 : i32
    %dma_start3A_26 = tpu.memref_slice %arg8[%dma_start3A_23, %dma_start3A_24, %dma_start3A_25] : memref<3x128x32xf32, #tpu.memory_space<vmem>> -> memref<1x128x32xf32, #tpu.memory_space<vmem>>
    %dma_start3A_27 = tpu.memref_squeeze %dma_start3A_26 : memref<1x128x32xf32, #tpu.memory_space<vmem>> -> memref<128x32xf32, #tpu.memory_space<vmem>>
    %dma_start3A_28 = arith.constant 128 : i32
    %dma_start3A_29 = tpu.memref_slice %arg6[%dma_start3A_28] : memref<10000xi32, #tpu.memory_space<vmem>> -> memref<128xi32, #tpu.memory_space<vmem>>
    %dma_start3A_30 = arith.constant 0 : i32
    %dma_start3A_31 = arith.constant 0 : i32
    %dma_start3A_32 = tpu.memref_slice %arg2[%dma_start3A_30, %dma_start3A_31] : memref<10000x32xf32, #tpu.memory_space<hbm>> -> memref<10000x32xf32, #tpu.memory_space<hbm>>
    tpu.enqueue_indirect_dma source(%dma_start3A_32 : memref<10000x32xf32, #tpu.memory_space<hbm>>) target(%dma_start3A_27 : memref<128x32xf32, #tpu.memory_space<vmem>>) offsets(%dma_start3A_29 : memref<128xi32, #tpu.memory_space<vmem>>) semaphore(%arg11 : memref<!tpu.dma_semaphore, #tpu.memory_space<semaphore_mem>>)
    %dma_start3A_33 = arith.constant 1 : i32
    %dma_start3A_34 = arith.constant 0 : i32
    %dma_start3A_35 = arith.constant 0 : i32
    %dma_start3A_36 = tpu.memref_slice %arg9[%dma_start3A_33, %dma_start3A_34, %dma_start3A_35] : memref<3x128x32xf32, #tpu.memory_space<vmem>> -> memref<1x128x32xf32, #tpu.memory_space<vmem>>
    %dma_start3A_37 = tpu.memref_squeeze %dma_start3A_36 : memref<1x128x32xf32, #tpu.memory_space<vmem>> -> memref<128x32xf32, #tpu.memory_space<vmem>>
    %dma_start3A_38 = arith.constant 128 : i32
    %dma_start3A_39 = tpu.memref_slice %arg7[%dma_start3A_38] : memref<10000xi32, #tpu.memory_space<vmem>> -> memref<128xi32, #tpu.memory_space<vmem>>
    %dma_start3A_40 = arith.constant 0 : i32
    %dma_start3A_41 = arith.constant 0 : i32
    %dma_start3A_42 = tpu.memref_slice %arg2[%dma_start3A_40, %dma_start3A_41] : memref<10000x32xf32, #tpu.memory_space<hbm>> -> memref<10000x32xf32, #tpu.memory_space<hbm>>
    tpu.enqueue_indirect_dma source(%dma_start3A_42 : memref<10000x32xf32, #tpu.memory_space<hbm>>) target(%dma_start3A_37 : memref<128x32xf32, #tpu.memory_space<vmem>>) offsets(%dma_start3A_39 : memref<128xi32, #tpu.memory_space<vmem>>) semaphore(%arg14 : memref<!tpu.dma_semaphore, #tpu.memory_space<semaphore_mem>>)
    %dma_start3A_43 = arith.constant 2 : i32
    %dma_start3A_44 = arith.constant 0 : i32
    %dma_start3A_45 = arith.constant 0 : i32
    %dma_start3A_46 = tpu.memref_slice %arg8[%dma_start3A_43, %dma_start3A_44, %dma_start3A_45] : memref<3x128x32xf32, #tpu.memory_space<vmem>> -> memref<1x128x32xf32, #tpu.memory_space<vmem>>
    %dma_start3A_47 = tpu.memref_squeeze %dma_start3A_46 : memref<1x128x32xf32, #tpu.memory_space<vmem>> -> memref<128x32xf32, #tpu.memory_space<vmem>>
    %dma_start3A_48 = arith.constant 256 : i32
    %dma_start3A_49 = tpu.memref_slice %arg6[%dma_start3A_48] : memref<10000xi32, #tpu.memory_space<vmem>> -> memref<128xi32, #tpu.memory_space<vmem>>
    %dma_start3A_50 = arith.constant 0 : i32
    %dma_start3A_51 = arith.constant 0 : i32
    %dma_start3A_52 = tpu.memref_slice %arg2[%dma_start3A_50, %dma_start3A_51] : memref<10000x32xf32, #tpu.memory_space<hbm>> -> memref<10000x32xf32, #tpu.memory_space<hbm>>
    tpu.enqueue_indirect_dma source(%dma_start3A_52 : memref<10000x32xf32, #tpu.memory_space<hbm>>) target(%dma_start3A_47 : memref<128x32xf32, #tpu.memory_space<vmem>>) offsets(%dma_start3A_49 : memref<128xi32, #tpu.memory_space<vmem>>) semaphore(%arg12 : memref<!tpu.dma_semaphore, #tpu.memory_space<semaphore_mem>>)
    %dma_start3A_53 = arith.constant 2 : i32
    %dma_start3A_54 = arith.constant 0 : i32
    %dma_start3A_55 = arith.constant 0 : i32
    %dma_start3A_56 = tpu.memref_slice %arg9[%dma_start3A_53, %dma_start3A_54, %dma_start3A_55] : memref<3x128x32xf32, #tpu.memory_space<vmem>> -> memref<1x128x32xf32, #tpu.memory_space<vmem>>
    %dma_start3A_57 = tpu.memref_squeeze %dma_start3A_56 : memref<1x128x32xf32, #tpu.memory_space<vmem>> -> memref<128x32xf32, #tpu.memory_space<vmem>>
    %dma_start3A_58 = arith.constant 256 : i32
    %dma_start3A_59 = tpu.memref_slice %arg7[%dma_start3A_58] : memref<10000xi32, #tpu.memory_space<vmem>> -> memref<128xi32, #tpu.memory_space<vmem>>
    %dma_start3A_60 = arith.constant 0 : i32
    %dma_start3A_61 = arith.constant 0 : i32
    %dma_start3A_62 = tpu.memref_slice %arg2[%dma_start3A_60, %dma_start3A_61] : memref<10000x32xf32, #tpu.memory_space<hbm>> -> memref<10000x32xf32, #tpu.memory_space<hbm>>
    tpu.enqueue_indirect_dma source(%dma_start3A_62 : memref<10000x32xf32, #tpu.memory_space<hbm>>) target(%dma_start3A_57 : memref<128x32xf32, #tpu.memory_space<vmem>>) offsets(%dma_start3A_59 : memref<128xi32, #tpu.memory_space<vmem>>) semaphore(%arg15 : memref<!tpu.dma_semaphore, #tpu.memory_space<semaphore_mem>>)
    %scan3A = arith.constant 0 : i32
    %scan3A_63 = arith.constant 0 : i32
    %scan3A_64 = arith.constant 26 : i32
    %scan3A_65 = arith.addi %scan3A_63, %scan3A_64 : i32
    %scan3A_66 = arith.constant 1 : i32
    scf.for %scan3A_113 = %scan3A_63 to %scan3A_65 step %scan3A_66  : i32 {
      %mul3A_114 = arith.constant 3 : i32
      %mul3A_115 = arith.muli %scan3A_113, %mul3A_114 : i32
      %add3A_116 = arith.constant 0 : i32
      %add3A_117 = arith.addi %mul3A_115, %add3A_116 : i32
      %mul3A_118 = arith.constant 128 : i32
      %mul3A_119 = arith.muli %add3A_117, %mul3A_118 : i32
      %dma_wait3A_120 = arith.constant 0 : i32
      %dma_wait3A_121 = arith.constant 0 : i32
      %dma_wait3A_122 = arith.constant 0 : i32
      %dma_wait3A_123 = tpu.memref_slice %arg8[%dma_wait3A_120, %dma_wait3A_121, %dma_wait3A_122] : memref<3x128x32xf32, #tpu.memory_space<vmem>> -> memref<1x128x32xf32, #tpu.memory_space<vmem>>
      %dma_wait3A_124 = tpu.memref_squeeze %dma_wait3A_123 : memref<1x128x32xf32, #tpu.memory_space<vmem>> -> memref<128x32xf32, #tpu.memory_space<vmem>>
      %dma_wait3A_125 = tpu.memref_slice %arg6[%mul3A_119] : memref<10000xi32, #tpu.memory_space<vmem>> -> memref<128xi32, #tpu.memory_space<vmem>>
      %dma_wait3A_126 = arith.constant 0 : i32
      %dma_wait3A_127 = arith.constant 0 : i32
      %dma_wait3A_128 = tpu.memref_slice %arg2[%dma_wait3A_126, %dma_wait3A_127] : memref<10000x32xf32, #tpu.memory_space<hbm>> -> memref<10000x32xf32, #tpu.memory_space<hbm>>
      tpu.wait_indirect_dma semaphore(%arg10 : memref<!tpu.dma_semaphore, #tpu.memory_space<semaphore_mem>>) src(%dma_wait3A_128 : memref<10000x32xf32, #tpu.memory_space<hbm>>) dst(%dma_wait3A_124 : memref<128x32xf32, #tpu.memory_space<vmem>>)
      %mul3A_129 = arith.constant 128 : i32
      %mul3A_130 = arith.muli %add3A_117, %mul3A_129 : i32
      %dma_wait3A_131 = arith.constant 0 : i32
      %dma_wait3A_132 = arith.constant 0 : i32
      %dma_wait3A_133 = arith.constant 0 : i32
      %dma_wait3A_134 = tpu.memref_slice %arg9[%dma_wait3A_131, %dma_wait3A_132, %dma_wait3A_133] : memref<3x128x32xf32, #tpu.memory_space<vmem>> -> memref<1x128x32xf32, #tpu.memory_space<vmem>>
      %dma_wait3A_135 = tpu.memref_squeeze %dma_wait3A_134 : memref<1x128x32xf32, #tpu.memory_space<vmem>> -> memref<128x32xf32, #tpu.memory_space<vmem>>
      %dma_wait3A_136 = tpu.memref_slice %arg7[%mul3A_130] : memref<10000xi32, #tpu.memory_space<vmem>> -> memref<128xi32, #tpu.memory_space<vmem>>
      %dma_wait3A_137 = arith.constant 0 : i32
      %dma_wait3A_138 = arith.constant 0 : i32
      %dma_wait3A_139 = tpu.memref_slice %arg2[%dma_wait3A_137, %dma_wait3A_138] : memref<10000x32xf32, #tpu.memory_space<hbm>> -> memref<10000x32xf32, #tpu.memory_space<hbm>>
      tpu.wait_indirect_dma semaphore(%arg13 : memref<!tpu.dma_semaphore, #tpu.memory_space<semaphore_mem>>) src(%dma_wait3A_139 : memref<10000x32xf32, #tpu.memory_space<hbm>>) dst(%dma_wait3A_135 : memref<128x32xf32, #tpu.memory_space<vmem>>)
      %mul3A_140 = arith.constant 128 : i32
      %mul3A_141 = arith.muli %add3A_117, %mul3A_140 : i32
      %add3A_142 = arith.addi %mul3A_2, %mul3A_141 : i32
      %dma_start3A_143 = arith.constant 0 : i32
      %dma_start3A_144 = arith.constant 0 : i32
      %dma_start3A_145 = arith.constant 0 : i32
      %dma_start3A_146 = tpu.memref_slice %arg8[%dma_start3A_143, %dma_start3A_144, %dma_start3A_145] : memref<3x128x32xf32, #tpu.memory_space<vmem>> -> memref<1x128x32xf32, #tpu.memory_space<vmem>>
      %dma_start3A_147 = tpu.memref_squeeze %dma_start3A_146 : memref<1x128x32xf32, #tpu.memory_space<vmem>> -> memref<128x32xf32, #tpu.memory_space<vmem>>
      %dma_start3A_148 = arith.constant 0 : i32
      %dma_start3A_149 = tpu.memref_slice %arg4[%add3A_142, %dma_start3A_148] : memref<320000x32xf32, #tpu.memory_space<hbm>> -> memref<128x32xf32, #tpu.memory_space<hbm>>
      %dma_start3A_150 = arith.constant 0 : i32
      %dma_start3A_151 = tpu.memref_slice %arg4[%add3A_142, %dma_start3A_150] : memref<320000x32xf32, #tpu.memory_space<hbm>> -> memref<128x32xf32, #tpu.memory_space<hbm>>
      %dma_start3A_152 = arith.constant 0 : i32
      %dma_start3A_153 = arith.constant 0 : i32
      %dma_start3A_154 = tpu.memref_slice %arg8[%dma_start3A_143, %dma_start3A_152, %dma_start3A_153] : memref<3x128x32xf32, #tpu.memory_space<vmem>> -> memref<1x128x32xf32, #tpu.memory_space<vmem>>
      %dma_start3A_155 = tpu.memref_squeeze %dma_start3A_154 : memref<1x128x32xf32, #tpu.memory_space<vmem>> -> memref<128x32xf32, #tpu.memory_space<vmem>>
      tpu.enqueue_dma source(%dma_start3A_155 : memref<128x32xf32, #tpu.memory_space<vmem>>) target(%dma_start3A_151 : memref<128x32xf32, #tpu.memory_space<hbm>>) target_semaphore(%arg10 : memref<!tpu.dma_semaphore, #tpu.memory_space<semaphore_mem>>)
      %mul3A_156 = arith.constant 128 : i32
      %mul3A_157 = arith.muli %add3A_117, %mul3A_156 : i32
      %add3A_158 = arith.addi %mul3A_2, %mul3A_157 : i32
      %dma_start3A_159 = arith.constant 0 : i32
      %dma_start3A_160 = arith.constant 0 : i32
      %dma_start3A_161 = arith.constant 0 : i32
      %dma_start3A_162 = tpu.memref_slice %arg9[%dma_start3A_159, %dma_start3A_160, %dma_start3A_161] : memref<3x128x32xf32, #tpu.memory_space<vmem>> -> memref<1x128x32xf32, #tpu.memory_space<vmem>>
      %dma_start3A_163 = tpu.memref_squeeze %dma_start3A_162 : memref<1x128x32xf32, #tpu.memory_space<vmem>> -> memref<128x32xf32, #tpu.memory_space<vmem>>
      %dma_start3A_164 = arith.constant 0 : i32
      %dma_start3A_165 = tpu.memref_slice %arg5[%add3A_158, %dma_start3A_164] : memref<320000x32xf32, #tpu.memory_space<hbm>> -> memref<128x32xf32, #tpu.memory_space<hbm>>
      %dma_start3A_166 = arith.constant 0 : i32
      %dma_start3A_167 = tpu.memref_slice %arg5[%add3A_158, %dma_start3A_166] : memref<320000x32xf32, #tpu.memory_space<hbm>> -> memref<128x32xf32, #tpu.memory_space<hbm>>
      %dma_start3A_168 = arith.constant 0 : i32
      %dma_start3A_169 = arith.constant 0 : i32
      %dma_start3A_170 = tpu.memref_slice %arg9[%dma_start3A_159, %dma_start3A_168, %dma_start3A_169] : memref<3x128x32xf32, #tpu.memory_space<vmem>> -> memref<1x128x32xf32, #tpu.memory_space<vmem>>
      %dma_start3A_171 = tpu.memref_squeeze %dma_start3A_170 : memref<1x128x32xf32, #tpu.memory_space<vmem>> -> memref<128x32xf32, #tpu.memory_space<vmem>>
      tpu.enqueue_dma source(%dma_start3A_171 : memref<128x32xf32, #tpu.memory_space<vmem>>) target(%dma_start3A_167 : memref<128x32xf32, #tpu.memory_space<hbm>>) target_semaphore(%arg13 : memref<!tpu.dma_semaphore, #tpu.memory_space<semaphore_mem>>)
      %dma_wait3A_172 = arith.constant 0 : i32
      %dma_wait3A_173 = arith.constant 0 : i32
      %dma_wait3A_174 = arith.constant 0 : i32
      %dma_wait3A_175 = tpu.memref_slice %arg8[%dma_wait3A_172, %dma_wait3A_173, %dma_wait3A_174] : memref<3x128x32xf32, #tpu.memory_space<vmem>> -> memref<1x128x32xf32, #tpu.memory_space<vmem>>
      %dma_wait3A_176 = tpu.memref_squeeze %dma_wait3A_175 : memref<1x128x32xf32, #tpu.memory_space<vmem>> -> memref<128x32xf32, #tpu.memory_space<vmem>>
      %dma_wait3A_177 = arith.constant 0 : i32
      %dma_wait3A_178 = tpu.memref_slice %arg4[%add3A_142, %dma_wait3A_177] : memref<320000x32xf32, #tpu.memory_space<hbm>> -> memref<128x32xf32, #tpu.memory_space<hbm>>
      %dma_wait3A_179 = arith.constant 0 : i32
      %dma_wait3A_180 = tpu.memref_slice %arg4[%add3A_142, %dma_wait3A_179] : memref<320000x32xf32, #tpu.memory_space<hbm>> -> memref<128x32xf32, #tpu.memory_space<hbm>>
      %dma_wait3A_181 = arith.constant 0 : i32
      %dma_wait3A_182 = arith.constant 0 : i32
      %dma_wait3A_183 = tpu.memref_slice %arg8[%dma_wait3A_172, %dma_wait3A_181, %dma_wait3A_182] : memref<3x128x32xf32, #tpu.memory_space<vmem>> -> memref<1x128x32xf32, #tpu.memory_space<vmem>>
      %dma_wait3A_184 = tpu.memref_squeeze %dma_wait3A_183 : memref<1x128x32xf32, #tpu.memory_space<vmem>> -> memref<128x32xf32, #tpu.memory_space<vmem>>
      tpu.wait_dma2 semaphore(%arg10 : memref<!tpu.dma_semaphore, #tpu.memory_space<semaphore_mem>>) src(%dma_wait3A_184 : memref<128x32xf32, #tpu.memory_space<vmem>>) dst(%dma_wait3A_180 : memref<128x32xf32, #tpu.memory_space<hbm>>)
      %dma_wait3A_185 = arith.constant 0 : i32
      %dma_wait3A_186 = arith.constant 0 : i32
      %dma_wait3A_187 = arith.constant 0 : i32
      %dma_wait3A_188 = tpu.memref_slice %arg9[%dma_wait3A_185, %dma_wait3A_186, %dma_wait3A_187] : memref<3x128x32xf32, #tpu.memory_space<vmem>> -> memref<1x128x32xf32, #tpu.memory_space<vmem>>
      %dma_wait3A_189 = tpu.memref_squeeze %dma_wait3A_188 : memref<1x128x32xf32, #tpu.memory_space<vmem>> -> memref<128x32xf32, #tpu.memory_space<vmem>>
      %dma_wait3A_190 = arith.constant 0 : i32
      %dma_wait3A_191 = tpu.memref_slice %arg5[%add3A_158, %dma_wait3A_190] : memref<320000x32xf32, #tpu.memory_space<hbm>> -> memref<128x32xf32, #tpu.memory_space<hbm>>
      %dma_wait3A_192 = arith.constant 0 : i32
      %dma_wait3A_193 = tpu.memref_slice %arg5[%add3A_158, %dma_wait3A_192] : memref<320000x32xf32, #tpu.memory_space<hbm>> -> memref<128x32xf32, #tpu.memory_space<hbm>>
      %dma_wait3A_194 = arith.constant 0 : i32
      %dma_wait3A_195 = arith.constant 0 : i32
      %dma_wait3A_196 = tpu.memref_slice %arg9[%dma_wait3A_185, %dma_wait3A_194, %dma_wait3A_195] : memref<3x128x32xf32, #tpu.memory_space<vmem>> -> memref<1x128x32xf32, #tpu.memory_space<vmem>>
      %dma_wait3A_197 = tpu.memref_squeeze %dma_wait3A_196 : memref<1x128x32xf32, #tpu.memory_space<vmem>> -> memref<128x32xf32, #tpu.memory_space<vmem>>
      tpu.wait_dma2 semaphore(%arg13 : memref<!tpu.dma_semaphore, #tpu.memory_space<semaphore_mem>>) src(%dma_wait3A_197 : memref<128x32xf32, #tpu.memory_space<vmem>>) dst(%dma_wait3A_193 : memref<128x32xf32, #tpu.memory_space<hbm>>)
      %add3A_198 = arith.constant 3 : i32
      %add3A_199 = arith.addi %add3A_117, %add3A_198 : i32
      %lt3A = arith.constant 78 : i32
      %lt3A_200 = arith.cmpi slt, %add3A_199, %lt3A : i32
      %convert_element_type3A = arith.extui %lt3A_200 : i1 to i32
      %cond3A = arith.constant 0 : i32
      %cond3A_201 = arith.cmpi ne, %convert_element_type3A, %cond3A : i32
      scf.if %cond3A_201 {
        %add3A_384 = arith.constant 3 : i32
        %add3A_385 = arith.addi %add3A_117, %add3A_384 : i32
        %mul3A_386 = arith.constant 128 : i32
        %mul3A_387 = arith.muli %add3A_385, %mul3A_386 : i32
        %dma_start3A_388 = arith.constant 0 : i32
        %dma_start3A_389 = arith.constant 0 : i32
        %dma_start3A_390 = arith.constant 0 : i32
        %dma_start3A_391 = tpu.memref_slice %arg8[%dma_start3A_388, %dma_start3A_389, %dma_start3A_390] : memref<3x128x32xf32, #tpu.memory_space<vmem>> -> memref<1x128x32xf32, #tpu.memory_space<vmem>>
        %dma_start3A_392 = tpu.memref_squeeze %dma_start3A_391 : memref<1x128x32xf32, #tpu.memory_space<vmem>> -> memref<128x32xf32, #tpu.memory_space<vmem>>
        %dma_start3A_393 = tpu.memref_slice %arg6[%mul3A_387] : memref<10000xi32, #tpu.memory_space<vmem>> -> memref<128xi32, #tpu.memory_space<vmem>>
        %dma_start3A_394 = arith.constant 0 : i32
        %dma_start3A_395 = arith.constant 0 : i32
        %dma_start3A_396 = tpu.memref_slice %arg2[%dma_start3A_394, %dma_start3A_395] : memref<10000x32xf32, #tpu.memory_space<hbm>> -> memref<10000x32xf32, #tpu.memory_space<hbm>>
        tpu.enqueue_indirect_dma source(%dma_start3A_396 : memref<10000x32xf32, #tpu.memory_space<hbm>>) target(%dma_start3A_392 : memref<128x32xf32, #tpu.memory_space<vmem>>) offsets(%dma_start3A_393 : memref<128xi32, #tpu.memory_space<vmem>>) semaphore(%arg10 : memref<!tpu.dma_semaphore, #tpu.memory_space<semaphore_mem>>)
        %mul3A_397 = arith.constant 128 : i32
        %mul3A_398 = arith.muli %add3A_385, %mul3A_397 : i32
        %dma_start3A_399 = arith.constant 0 : i32
        %dma_start3A_400 = arith.constant 0 : i32
        %dma_start3A_401 = arith.constant 0 : i32
        %dma_start3A_402 = tpu.memref_slice %arg9[%dma_start3A_399, %dma_start3A_400, %dma_start3A_401] : memref<3x128x32xf32, #tpu.memory_space<vmem>> -> memref<1x128x32xf32, #tpu.memory_space<vmem>>
        %dma_start3A_403 = tpu.memref_squeeze %dma_start3A_402 : memref<1x128x32xf32, #tpu.memory_space<vmem>> -> memref<128x32xf32, #tpu.memory_space<vmem>>
        %dma_start3A_404 = tpu.memref_slice %arg7[%mul3A_398] : memref<10000xi32, #tpu.memory_space<vmem>> -> memref<128xi32, #tpu.memory_space<vmem>>
        %dma_start3A_405 = arith.constant 0 : i32
        %dma_start3A_406 = arith.constant 0 : i32
        %dma_start3A_407 = tpu.memref_slice %arg2[%dma_start3A_405, %dma_start3A_406] : memref<10000x32xf32, #tpu.memory_space<hbm>> -> memref<10000x32xf32, #tpu.memory_space<hbm>>
        tpu.enqueue_indirect_dma source(%dma_start3A_407 : memref<10000x32xf32, #tpu.memory_space<hbm>>) target(%dma_start3A_403 : memref<128x32xf32, #tpu.memory_space<vmem>>) offsets(%dma_start3A_404 : memref<128xi32, #tpu.memory_space<vmem>>) semaphore(%arg13 : memref<!tpu.dma_semaphore, #tpu.memory_space<semaphore_mem>>)
      } else {
      }
      %mul3A_202 = arith.constant 3 : i32
      %mul3A_203 = arith.muli %scan3A_113, %mul3A_202 : i32
      %add3A_204 = arith.constant 1 : i32
      %add3A_205 = arith.addi %mul3A_203, %add3A_204 : i32
      %mul3A_206 = arith.constant 128 : i32
      %mul3A_207 = arith.muli %add3A_205, %mul3A_206 : i32
      %dma_wait3A_208 = arith.constant 1 : i32
      %dma_wait3A_209 = arith.constant 0 : i32
      %dma_wait3A_210 = arith.constant 0 : i32
      %dma_wait3A_211 = tpu.memref_slice %arg8[%dma_wait3A_208, %dma_wait3A_209, %dma_wait3A_210] : memref<3x128x32xf32, #tpu.memory_space<vmem>> -> memref<1x128x32xf32, #tpu.memory_space<vmem>>
      %dma_wait3A_212 = tpu.memref_squeeze %dma_wait3A_211 : memref<1x128x32xf32, #tpu.memory_space<vmem>> -> memref<128x32xf32, #tpu.memory_space<vmem>>
      %dma_wait3A_213 = tpu.memref_slice %arg6[%mul3A_207] : memref<10000xi32, #tpu.memory_space<vmem>> -> memref<128xi32, #tpu.memory_space<vmem>>
      %dma_wait3A_214 = arith.constant 0 : i32
      %dma_wait3A_215 = arith.constant 0 : i32
      %dma_wait3A_216 = tpu.memref_slice %arg2[%dma_wait3A_214, %dma_wait3A_215] : memref<10000x32xf32, #tpu.memory_space<hbm>> -> memref<10000x32xf32, #tpu.memory_space<hbm>>
      tpu.wait_indirect_dma semaphore(%arg11 : memref<!tpu.dma_semaphore, #tpu.memory_space<semaphore_mem>>) src(%dma_wait3A_216 : memref<10000x32xf32, #tpu.memory_space<hbm>>) dst(%dma_wait3A_212 : memref<128x32xf32, #tpu.memory_space<vmem>>)
      %mul3A_217 = arith.constant 128 : i32
      %mul3A_218 = arith.muli %add3A_205, %mul3A_217 : i32
      %dma_wait3A_219 = arith.constant 1 : i32
      %dma_wait3A_220 = arith.constant 0 : i32
      %dma_wait3A_221 = arith.constant 0 : i32
      %dma_wait3A_222 = tpu.memref_slice %arg9[%dma_wait3A_219, %dma_wait3A_220, %dma_wait3A_221] : memref<3x128x32xf32, #tpu.memory_space<vmem>> -> memref<1x128x32xf32, #tpu.memory_space<vmem>>
      %dma_wait3A_223 = tpu.memref_squeeze %dma_wait3A_222 : memref<1x128x32xf32, #tpu.memory_space<vmem>> -> memref<128x32xf32, #tpu.memory_space<vmem>>
      %dma_wait3A_224 = tpu.memref_slice %arg7[%mul3A_218] : memref<10000xi32, #tpu.memory_space<vmem>> -> memref<128xi32, #tpu.memory_space<vmem>>
      %dma_wait3A_225 = arith.constant 0 : i32
      %dma_wait3A_226 = arith.constant 0 : i32
      %dma_wait3A_227 = tpu.memref_slice %arg2[%dma_wait3A_225, %dma_wait3A_226] : memref<10000x32xf32, #tpu.memory_space<hbm>> -> memref<10000x32xf32, #tpu.memory_space<hbm>>
      tpu.wait_indirect_dma semaphore(%arg14 : memref<!tpu.dma_semaphore, #tpu.memory_space<semaphore_mem>>) src(%dma_wait3A_227 : memref<10000x32xf32, #tpu.memory_space<hbm>>) dst(%dma_wait3A_223 : memref<128x32xf32, #tpu.memory_space<vmem>>)
      %mul3A_228 = arith.constant 128 : i32
      %mul3A_229 = arith.muli %add3A_205, %mul3A_228 : i32
      %add3A_230 = arith.addi %mul3A_2, %mul3A_229 : i32
      %dma_start3A_231 = arith.constant 1 : i32
      %dma_start3A_232 = arith.constant 0 : i32
      %dma_start3A_233 = arith.constant 0 : i32
      %dma_start3A_234 = tpu.memref_slice %arg8[%dma_start3A_231, %dma_start3A_232, %dma_start3A_233] : memref<3x128x32xf32, #tpu.memory_space<vmem>> -> memref<1x128x32xf32, #tpu.memory_space<vmem>>
      %dma_start3A_235 = tpu.memref_squeeze %dma_start3A_234 : memref<1x128x32xf32, #tpu.memory_space<vmem>> -> memref<128x32xf32, #tpu.memory_space<vmem>>
      %dma_start3A_236 = arith.constant 0 : i32
      %dma_start3A_237 = tpu.memref_slice %arg4[%add3A_230, %dma_start3A_236] : memref<320000x32xf32, #tpu.memory_space<hbm>> -> memref<128x32xf32, #tpu.memory_space<hbm>>
      %dma_start3A_238 = arith.constant 0 : i32
      %dma_start3A_239 = tpu.memref_slice %arg4[%add3A_230, %dma_start3A_238] : memref<320000x32xf32, #tpu.memory_space<hbm>> -> memref<128x32xf32, #tpu.memory_space<hbm>>
      %dma_start3A_240 = arith.constant 0 : i32
      %dma_start3A_241 = arith.constant 0 : i32
      %dma_start3A_242 = tpu.memref_slice %arg8[%dma_start3A_231, %dma_start3A_240, %dma_start3A_241] : memref<3x128x32xf32, #tpu.memory_space<vmem>> -> memref<1x128x32xf32, #tpu.memory_space<vmem>>
      %dma_start3A_243 = tpu.memref_squeeze %dma_start3A_242 : memref<1x128x32xf32, #tpu.memory_space<vmem>> -> memref<128x32xf32, #tpu.memory_space<vmem>>
      tpu.enqueue_dma source(%dma_start3A_243 : memref<128x32xf32, #tpu.memory_space<vmem>>) target(%dma_start3A_239 : memref<128x32xf32, #tpu.memory_space<hbm>>) target_semaphore(%arg11 : memref<!tpu.dma_semaphore, #tpu.memory_space<semaphore_mem>>)
      %mul3A_244 = arith.constant 128 : i32
      %mul3A_245 = arith.muli %add3A_205, %mul3A_244 : i32
      %add3A_246 = arith.addi %mul3A_2, %mul3A_245 : i32
      %dma_start3A_247 = arith.constant 1 : i32
      %dma_start3A_248 = arith.constant 0 : i32
      %dma_start3A_249 = arith.constant 0 : i32
      %dma_start3A_250 = tpu.memref_slice %arg9[%dma_start3A_247, %dma_start3A_248, %dma_start3A_249] : memref<3x128x32xf32, #tpu.memory_space<vmem>> -> memref<1x128x32xf32, #tpu.memory_space<vmem>>
      %dma_start3A_251 = tpu.memref_squeeze %dma_start3A_250 : memref<1x128x32xf32, #tpu.memory_space<vmem>> -> memref<128x32xf32, #tpu.memory_space<vmem>>
      %dma_start3A_252 = arith.constant 0 : i32
      %dma_start3A_253 = tpu.memref_slice %arg5[%add3A_246, %dma_start3A_252] : memref<320000x32xf32, #tpu.memory_space<hbm>> -> memref<128x32xf32, #tpu.memory_space<hbm>>
      %dma_start3A_254 = arith.constant 0 : i32
      %dma_start3A_255 = tpu.memref_slice %arg5[%add3A_246, %dma_start3A_254] : memref<320000x32xf32, #tpu.memory_space<hbm>> -> memref<128x32xf32, #tpu.memory_space<hbm>>
      %dma_start3A_256 = arith.constant 0 : i32
      %dma_start3A_257 = arith.constant 0 : i32
      %dma_start3A_258 = tpu.memref_slice %arg9[%dma_start3A_247, %dma_start3A_256, %dma_start3A_257] : memref<3x128x32xf32, #tpu.memory_space<vmem>> -> memref<1x128x32xf32, #tpu.memory_space<vmem>>
      %dma_start3A_259 = tpu.memref_squeeze %dma_start3A_258 : memref<1x128x32xf32, #tpu.memory_space<vmem>> -> memref<128x32xf32, #tpu.memory_space<vmem>>
      tpu.enqueue_dma source(%dma_start3A_259 : memref<128x32xf32, #tpu.memory_space<vmem>>) target(%dma_start3A_255 : memref<128x32xf32, #tpu.memory_space<hbm>>) target_semaphore(%arg14 : memref<!tpu.dma_semaphore, #tpu.memory_space<semaphore_mem>>)
      %dma_wait3A_260 = arith.constant 1 : i32
      %dma_wait3A_261 = arith.constant 0 : i32
      %dma_wait3A_262 = arith.constant 0 : i32
      %dma_wait3A_263 = tpu.memref_slice %arg8[%dma_wait3A_260, %dma_wait3A_261, %dma_wait3A_262] : memref<3x128x32xf32, #tpu.memory_space<vmem>> -> memref<1x128x32xf32, #tpu.memory_space<vmem>>
      %dma_wait3A_264 = tpu.memref_squeeze %dma_wait3A_263 : memref<1x128x32xf32, #tpu.memory_space<vmem>> -> memref<128x32xf32, #tpu.memory_space<vmem>>
      %dma_wait3A_265 = arith.constant 0 : i32
      %dma_wait3A_266 = tpu.memref_slice %arg4[%add3A_230, %dma_wait3A_265] : memref<320000x32xf32, #tpu.memory_space<hbm>> -> memref<128x32xf32, #tpu.memory_space<hbm>>
      %dma_wait3A_267 = arith.constant 0 : i32
      %dma_wait3A_268 = tpu.memref_slice %arg4[%add3A_230, %dma_wait3A_267] : memref<320000x32xf32, #tpu.memory_space<hbm>> -> memref<128x32xf32, #tpu.memory_space<hbm>>
      %dma_wait3A_269 = arith.constant 0 : i32
      %dma_wait3A_270 = arith.constant 0 : i32
      %dma_wait3A_271 = tpu.memref_slice %arg8[%dma_wait3A_260, %dma_wait3A_269, %dma_wait3A_270] : memref<3x128x32xf32, #tpu.memory_space<vmem>> -> memref<1x128x32xf32, #tpu.memory_space<vmem>>
      %dma_wait3A_272 = tpu.memref_squeeze %dma_wait3A_271 : memref<1x128x32xf32, #tpu.memory_space<vmem>> -> memref<128x32xf32, #tpu.memory_space<vmem>>
      tpu.wait_dma2 semaphore(%arg11 : memref<!tpu.dma_semaphore, #tpu.memory_space<semaphore_mem>>) src(%dma_wait3A_272 : memref<128x32xf32, #tpu.memory_space<vmem>>) dst(%dma_wait3A_268 : memref<128x32xf32, #tpu.memory_space<hbm>>)
      %dma_wait3A_273 = arith.constant 1 : i32
      %dma_wait3A_274 = arith.constant 0 : i32
      %dma_wait3A_275 = arith.constant 0 : i32
      %dma_wait3A_276 = tpu.memref_slice %arg9[%dma_wait3A_273, %dma_wait3A_274, %dma_wait3A_275] : memref<3x128x32xf32, #tpu.memory_space<vmem>> -> memref<1x128x32xf32, #tpu.memory_space<vmem>>
      %dma_wait3A_277 = tpu.memref_squeeze %dma_wait3A_276 : memref<1x128x32xf32, #tpu.memory_space<vmem>> -> memref<128x32xf32, #tpu.memory_space<vmem>>
      %dma_wait3A_278 = arith.constant 0 : i32
      %dma_wait3A_279 = tpu.memref_slice %arg5[%add3A_246, %dma_wait3A_278] : memref<320000x32xf32, #tpu.memory_space<hbm>> -> memref<128x32xf32, #tpu.memory_space<hbm>>
      %dma_wait3A_280 = arith.constant 0 : i32
      %dma_wait3A_281 = tpu.memref_slice %arg5[%add3A_246, %dma_wait3A_280] : memref<320000x32xf32, #tpu.memory_space<hbm>> -> memref<128x32xf32, #tpu.memory_space<hbm>>
      %dma_wait3A_282 = arith.constant 0 : i32
      %dma_wait3A_283 = arith.constant 0 : i32
      %dma_wait3A_284 = tpu.memref_slice %arg9[%dma_wait3A_273, %dma_wait3A_282, %dma_wait3A_283] : memref<3x128x32xf32, #tpu.memory_space<vmem>> -> memref<1x128x32xf32, #tpu.memory_space<vmem>>
      %dma_wait3A_285 = tpu.memref_squeeze %dma_wait3A_284 : memref<1x128x32xf32, #tpu.memory_space<vmem>> -> memref<128x32xf32, #tpu.memory_space<vmem>>
      tpu.wait_dma2 semaphore(%arg14 : memref<!tpu.dma_semaphore, #tpu.memory_space<semaphore_mem>>) src(%dma_wait3A_285 : memref<128x32xf32, #tpu.memory_space<vmem>>) dst(%dma_wait3A_281 : memref<128x32xf32, #tpu.memory_space<hbm>>)
      %add3A_286 = arith.constant 3 : i32
      %add3A_287 = arith.addi %add3A_205, %add3A_286 : i32
      %lt3A_288 = arith.constant 78 : i32
      %lt3A_289 = arith.cmpi slt, %add3A_287, %lt3A_288 : i32
      %convert_element_type3A_290 = arith.extui %lt3A_289 : i1 to i32
      %cond3A_291 = arith.constant 0 : i32
      %cond3A_292 = arith.cmpi ne, %convert_element_type3A_290, %cond3A_291 : i32
      scf.if %cond3A_292 {
        %add3A_384 = arith.constant 3 : i32
        %add3A_385 = arith.addi %add3A_205, %add3A_384 : i32
        %mul3A_386 = arith.constant 128 : i32
        %mul3A_387 = arith.muli %add3A_385, %mul3A_386 : i32
        %dma_start3A_388 = arith.constant 1 : i32
        %dma_start3A_389 = arith.constant 0 : i32
        %dma_start3A_390 = arith.constant 0 : i32
        %dma_start3A_391 = tpu.memref_slice %arg8[%dma_start3A_388, %dma_start3A_389, %dma_start3A_390] : memref<3x128x32xf32, #tpu.memory_space<vmem>> -> memref<1x128x32xf32, #tpu.memory_space<vmem>>
        %dma_start3A_392 = tpu.memref_squeeze %dma_start3A_391 : memref<1x128x32xf32, #tpu.memory_space<vmem>> -> memref<128x32xf32, #tpu.memory_space<vmem>>
        %dma_start3A_393 = tpu.memref_slice %arg6[%mul3A_387] : memref<10000xi32, #tpu.memory_space<vmem>> -> memref<128xi32, #tpu.memory_space<vmem>>
        %dma_start3A_394 = arith.constant 0 : i32
        %dma_start3A_395 = arith.constant 0 : i32
        %dma_start3A_396 = tpu.memref_slice %arg2[%dma_start3A_394, %dma_start3A_395] : memref<10000x32xf32, #tpu.memory_space<hbm>> -> memref<10000x32xf32, #tpu.memory_space<hbm>>
        tpu.enqueue_indirect_dma source(%dma_start3A_396 : memref<10000x32xf32, #tpu.memory_space<hbm>>) target(%dma_start3A_392 : memref<128x32xf32, #tpu.memory_space<vmem>>) offsets(%dma_start3A_393 : memref<128xi32, #tpu.memory_space<vmem>>) semaphore(%arg11 : memref<!tpu.dma_semaphore, #tpu.memory_space<semaphore_mem>>)
        %mul3A_397 = arith.constant 128 : i32
        %mul3A_398 = arith.muli %add3A_385, %mul3A_397 : i32
        %dma_start3A_399 = arith.constant 1 : i32
        %dma_start3A_400 = arith.constant 0 : i32
        %dma_start3A_401 = arith.constant 0 : i32
        %dma_start3A_402 = tpu.memref_slice %arg9[%dma_start3A_399, %dma_start3A_400, %dma_start3A_401] : memref<3x128x32xf32, #tpu.memory_space<vmem>> -> memref<1x128x32xf32, #tpu.memory_space<vmem>>
        %dma_start3A_403 = tpu.memref_squeeze %dma_start3A_402 : memref<1x128x32xf32, #tpu.memory_space<vmem>> -> memref<128x32xf32, #tpu.memory_space<vmem>>
        %dma_start3A_404 = tpu.memref_slice %arg7[%mul3A_398] : memref<10000xi32, #tpu.memory_space<vmem>> -> memref<128xi32, #tpu.memory_space<vmem>>
        %dma_start3A_405 = arith.constant 0 : i32
        %dma_start3A_406 = arith.constant 0 : i32
        %dma_start3A_407 = tpu.memref_slice %arg2[%dma_start3A_405, %dma_start3A_406] : memref<10000x32xf32, #tpu.memory_space<hbm>> -> memref<10000x32xf32, #tpu.memory_space<hbm>>
        tpu.enqueue_indirect_dma source(%dma_start3A_407 : memref<10000x32xf32, #tpu.memory_space<hbm>>) target(%dma_start3A_403 : memref<128x32xf32, #tpu.memory_space<vmem>>) offsets(%dma_start3A_404 : memref<128xi32, #tpu.memory_space<vmem>>) semaphore(%arg14 : memref<!tpu.dma_semaphore, #tpu.memory_space<semaphore_mem>>)
      } else {
      }
      %mul3A_293 = arith.constant 3 : i32
      %mul3A_294 = arith.muli %scan3A_113, %mul3A_293 : i32
      %add3A_295 = arith.constant 2 : i32
      %add3A_296 = arith.addi %mul3A_294, %add3A_295 : i32
      %mul3A_297 = arith.constant 128 : i32
      %mul3A_298 = arith.muli %add3A_296, %mul3A_297 : i32
      %dma_wait3A_299 = arith.constant 2 : i32
      %dma_wait3A_300 = arith.constant 0 : i32
      %dma_wait3A_301 = arith.constant 0 : i32
      %dma_wait3A_302 = tpu.memref_slice %arg8[%dma_wait3A_299, %dma_wait3A_300, %dma_wait3A_301] : memref<3x128x32xf32, #tpu.memory_space<vmem>> -> memref<1x128x32xf32, #tpu.memory_space<vmem>>
      %dma_wait3A_303 = tpu.memref_squeeze %dma_wait3A_302 : memref<1x128x32xf32, #tpu.memory_space<vmem>> -> memref<128x32xf32, #tpu.memory_space<vmem>>
      %dma_wait3A_304 = tpu.memref_slice %arg6[%mul3A_298] : memref<10000xi32, #tpu.memory_space<vmem>> -> memref<128xi32, #tpu.memory_space<vmem>>
      %dma_wait3A_305 = arith.constant 0 : i32
      %dma_wait3A_306 = arith.constant 0 : i32
      %dma_wait3A_307 = tpu.memref_slice %arg2[%dma_wait3A_305, %dma_wait3A_306] : memref<10000x32xf32, #tpu.memory_space<hbm>> -> memref<10000x32xf32, #tpu.memory_space<hbm>>
      tpu.wait_indirect_dma semaphore(%arg12 : memref<!tpu.dma_semaphore, #tpu.memory_space<semaphore_mem>>) src(%dma_wait3A_307 : memref<10000x32xf32, #tpu.memory_space<hbm>>) dst(%dma_wait3A_303 : memref<128x32xf32, #tpu.memory_space<vmem>>)
      %mul3A_308 = arith.constant 128 : i32
      %mul3A_309 = arith.muli %add3A_296, %mul3A_308 : i32
      %dma_wait3A_310 = arith.constant 2 : i32
      %dma_wait3A_311 = arith.constant 0 : i32
      %dma_wait3A_312 = arith.constant 0 : i32
      %dma_wait3A_313 = tpu.memref_slice %arg9[%dma_wait3A_310, %dma_wait3A_311, %dma_wait3A_312] : memref<3x128x32xf32, #tpu.memory_space<vmem>> -> memref<1x128x32xf32, #tpu.memory_space<vmem>>
      %dma_wait3A_314 = tpu.memref_squeeze %dma_wait3A_313 : memref<1x128x32xf32, #tpu.memory_space<vmem>> -> memref<128x32xf32, #tpu.memory_space<vmem>>
      %dma_wait3A_315 = tpu.memref_slice %arg7[%mul3A_309] : memref<10000xi32, #tpu.memory_space<vmem>> -> memref<128xi32, #tpu.memory_space<vmem>>
      %dma_wait3A_316 = arith.constant 0 : i32
      %dma_wait3A_317 = arith.constant 0 : i32
      %dma_wait3A_318 = tpu.memref_slice %arg2[%dma_wait3A_316, %dma_wait3A_317] : memref<10000x32xf32, #tpu.memory_space<hbm>> -> memref<10000x32xf32, #tpu.memory_space<hbm>>
      tpu.wait_indirect_dma semaphore(%arg15 : memref<!tpu.dma_semaphore, #tpu.memory_space<semaphore_mem>>) src(%dma_wait3A_318 : memref<10000x32xf32, #tpu.memory_space<hbm>>) dst(%dma_wait3A_314 : memref<128x32xf32, #tpu.memory_space<vmem>>)
      %mul3A_319 = arith.constant 128 : i32
      %mul3A_320 = arith.muli %add3A_296, %mul3A_319 : i32
      %add3A_321 = arith.addi %mul3A_2, %mul3A_320 : i32
      %dma_start3A_322 = arith.constant 2 : i32
      %dma_start3A_323 = arith.constant 0 : i32
      %dma_start3A_324 = arith.constant 0 : i32
      %dma_start3A_325 = tpu.memref_slice %arg8[%dma_start3A_322, %dma_start3A_323, %dma_start3A_324] : memref<3x128x32xf32, #tpu.memory_space<vmem>> -> memref<1x128x32xf32, #tpu.memory_space<vmem>>
      %dma_start3A_326 = tpu.memref_squeeze %dma_start3A_325 : memref<1x128x32xf32, #tpu.memory_space<vmem>> -> memref<128x32xf32, #tpu.memory_space<vmem>>
      %dma_start3A_327 = arith.constant 0 : i32
      %dma_start3A_328 = tpu.memref_slice %arg4[%add3A_321, %dma_start3A_327] : memref<320000x32xf32, #tpu.memory_space<hbm>> -> memref<128x32xf32, #tpu.memory_space<hbm>>
      %dma_start3A_329 = arith.constant 0 : i32
      %dma_start3A_330 = tpu.memref_slice %arg4[%add3A_321, %dma_start3A_329] : memref<320000x32xf32, #tpu.memory_space<hbm>> -> memref<128x32xf32, #tpu.memory_space<hbm>>
      %dma_start3A_331 = arith.constant 0 : i32
      %dma_start3A_332 = arith.constant 0 : i32
      %dma_start3A_333 = tpu.memref_slice %arg8[%dma_start3A_322, %dma_start3A_331, %dma_start3A_332] : memref<3x128x32xf32, #tpu.memory_space<vmem>> -> memref<1x128x32xf32, #tpu.memory_space<vmem>>
      %dma_start3A_334 = tpu.memref_squeeze %dma_start3A_333 : memref<1x128x32xf32, #tpu.memory_space<vmem>> -> memref<128x32xf32, #tpu.memory_space<vmem>>
      tpu.enqueue_dma source(%dma_start3A_334 : memref<128x32xf32, #tpu.memory_space<vmem>>) target(%dma_start3A_330 : memref<128x32xf32, #tpu.memory_space<hbm>>) target_semaphore(%arg12 : memref<!tpu.dma_semaphore, #tpu.memory_space<semaphore_mem>>)
      %mul3A_335 = arith.constant 128 : i32
      %mul3A_336 = arith.muli %add3A_296, %mul3A_335 : i32
      %add3A_337 = arith.addi %mul3A_2, %mul3A_336 : i32
      %dma_start3A_338 = arith.constant 2 : i32
      %dma_start3A_339 = arith.constant 0 : i32
      %dma_start3A_340 = arith.constant 0 : i32
      %dma_start3A_341 = tpu.memref_slice %arg9[%dma_start3A_338, %dma_start3A_339, %dma_start3A_340] : memref<3x128x32xf32, #tpu.memory_space<vmem>> -> memref<1x128x32xf32, #tpu.memory_space<vmem>>
      %dma_start3A_342 = tpu.memref_squeeze %dma_start3A_341 : memref<1x128x32xf32, #tpu.memory_space<vmem>> -> memref<128x32xf32, #tpu.memory_space<vmem>>
      %dma_start3A_343 = arith.constant 0 : i32
      %dma_start3A_344 = tpu.memref_slice %arg5[%add3A_337, %dma_start3A_343] : memref<320000x32xf32, #tpu.memory_space<hbm>> -> memref<128x32xf32, #tpu.memory_space<hbm>>
      %dma_start3A_345 = arith.constant 0 : i32
      %dma_start3A_346 = tpu.memref_slice %arg5[%add3A_337, %dma_start3A_345] : memref<320000x32xf32, #tpu.memory_space<hbm>> -> memref<128x32xf32, #tpu.memory_space<hbm>>
      %dma_start3A_347 = arith.constant 0 : i32
      %dma_start3A_348 = arith.constant 0 : i32
      %dma_start3A_349 = tpu.memref_slice %arg9[%dma_start3A_338, %dma_start3A_347, %dma_start3A_348] : memref<3x128x32xf32, #tpu.memory_space<vmem>> -> memref<1x128x32xf32, #tpu.memory_space<vmem>>
      %dma_start3A_350 = tpu.memref_squeeze %dma_start3A_349 : memref<1x128x32xf32, #tpu.memory_space<vmem>> -> memref<128x32xf32, #tpu.memory_space<vmem>>
      tpu.enqueue_dma source(%dma_start3A_350 : memref<128x32xf32, #tpu.memory_space<vmem>>) target(%dma_start3A_346 : memref<128x32xf32, #tpu.memory_space<hbm>>) target_semaphore(%arg15 : memref<!tpu.dma_semaphore, #tpu.memory_space<semaphore_mem>>)
      %dma_wait3A_351 = arith.constant 2 : i32
      %dma_wait3A_352 = arith.constant 0 : i32
      %dma_wait3A_353 = arith.constant 0 : i32
      %dma_wait3A_354 = tpu.memref_slice %arg8[%dma_wait3A_351, %dma_wait3A_352, %dma_wait3A_353] : memref<3x128x32xf32, #tpu.memory_space<vmem>> -> memref<1x128x32xf32, #tpu.memory_space<vmem>>
      %dma_wait3A_355 = tpu.memref_squeeze %dma_wait3A_354 : memref<1x128x32xf32, #tpu.memory_space<vmem>> -> memref<128x32xf32, #tpu.memory_space<vmem>>
      %dma_wait3A_356 = arith.constant 0 : i32
      %dma_wait3A_357 = tpu.memref_slice %arg4[%add3A_321, %dma_wait3A_356] : memref<320000x32xf32, #tpu.memory_space<hbm>> -> memref<128x32xf32, #tpu.memory_space<hbm>>
      %dma_wait3A_358 = arith.constant 0 : i32
      %dma_wait3A_359 = tpu.memref_slice %arg4[%add3A_321, %dma_wait3A_358] : memref<320000x32xf32, #tpu.memory_space<hbm>> -> memref<128x32xf32, #tpu.memory_space<hbm>>
      %dma_wait3A_360 = arith.constant 0 : i32
      %dma_wait3A_361 = arith.constant 0 : i32
      %dma_wait3A_362 = tpu.memref_slice %arg8[%dma_wait3A_351, %dma_wait3A_360, %dma_wait3A_361] : memref<3x128x32xf32, #tpu.memory_space<vmem>> -> memref<1x128x32xf32, #tpu.memory_space<vmem>>
      %dma_wait3A_363 = tpu.memref_squeeze %dma_wait3A_362 : memref<1x128x32xf32, #tpu.memory_space<vmem>> -> memref<128x32xf32, #tpu.memory_space<vmem>>
      tpu.wait_dma2 semaphore(%arg12 : memref<!tpu.dma_semaphore, #tpu.memory_space<semaphore_mem>>) src(%dma_wait3A_363 : memref<128x32xf32, #tpu.memory_space<vmem>>) dst(%dma_wait3A_359 : memref<128x32xf32, #tpu.memory_space<hbm>>)
      %dma_wait3A_364 = arith.constant 2 : i32
      %dma_wait3A_365 = arith.constant 0 : i32
      %dma_wait3A_366 = arith.constant 0 : i32
      %dma_wait3A_367 = tpu.memref_slice %arg9[%dma_wait3A_364, %dma_wait3A_365, %dma_wait3A_366] : memref<3x128x32xf32, #tpu.memory_space<vmem>> -> memref<1x128x32xf32, #tpu.memory_space<vmem>>
      %dma_wait3A_368 = tpu.memref_squeeze %dma_wait3A_367 : memref<1x128x32xf32, #tpu.memory_space<vmem>> -> memref<128x32xf32, #tpu.memory_space<vmem>>
      %dma_wait3A_369 = arith.constant 0 : i32
      %dma_wait3A_370 = tpu.memref_slice %arg5[%add3A_337, %dma_wait3A_369] : memref<320000x32xf32, #tpu.memory_space<hbm>> -> memref<128x32xf32, #tpu.memory_space<hbm>>
      %dma_wait3A_371 = arith.constant 0 : i32
      %dma_wait3A_372 = tpu.memref_slice %arg5[%add3A_337, %dma_wait3A_371] : memref<320000x32xf32, #tpu.memory_space<hbm>> -> memref<128x32xf32, #tpu.memory_space<hbm>>
      %dma_wait3A_373 = arith.constant 0 : i32
      %dma_wait3A_374 = arith.constant 0 : i32
      %dma_wait3A_375 = tpu.memref_slice %arg9[%dma_wait3A_364, %dma_wait3A_373, %dma_wait3A_374] : memref<3x128x32xf32, #tpu.memory_space<vmem>> -> memref<1x128x32xf32, #tpu.memory_space<vmem>>
      %dma_wait3A_376 = tpu.memref_squeeze %dma_wait3A_375 : memref<1x128x32xf32, #tpu.memory_space<vmem>> -> memref<128x32xf32, #tpu.memory_space<vmem>>
      tpu.wait_dma2 semaphore(%arg15 : memref<!tpu.dma_semaphore, #tpu.memory_space<semaphore_mem>>) src(%dma_wait3A_376 : memref<128x32xf32, #tpu.memory_space<vmem>>) dst(%dma_wait3A_372 : memref<128x32xf32, #tpu.memory_space<hbm>>)
      %add3A_377 = arith.constant 3 : i32
      %add3A_378 = arith.addi %add3A_296, %add3A_377 : i32
      %lt3A_379 = arith.constant 78 : i32
      %lt3A_380 = arith.cmpi slt, %add3A_378, %lt3A_379 : i32
      %convert_element_type3A_381 = arith.extui %lt3A_380 : i1 to i32
      %cond3A_382 = arith.constant 0 : i32
      %cond3A_383 = arith.cmpi ne, %convert_element_type3A_381, %cond3A_382 : i32
      scf.if %cond3A_383 {
        %add3A_384 = arith.constant 3 : i32
        %add3A_385 = arith.addi %add3A_296, %add3A_384 : i32
        %mul3A_386 = arith.constant 128 : i32
        %mul3A_387 = arith.muli %add3A_385, %mul3A_386 : i32
        %dma_start3A_388 = arith.constant 2 : i32
        %dma_start3A_389 = arith.constant 0 : i32
        %dma_start3A_390 = arith.constant 0 : i32
        %dma_start3A_391 = tpu.memref_slice %arg8[%dma_start3A_388, %dma_start3A_389, %dma_start3A_390] : memref<3x128x32xf32, #tpu.memory_space<vmem>> -> memref<1x128x32xf32, #tpu.memory_space<vmem>>
        %dma_start3A_392 = tpu.memref_squeeze %dma_start3A_391 : memref<1x128x32xf32, #tpu.memory_space<vmem>> -> memref<128x32xf32, #tpu.memory_space<vmem>>
        %dma_start3A_393 = tpu.memref_slice %arg6[%mul3A_387] : memref<10000xi32, #tpu.memory_space<vmem>> -> memref<128xi32, #tpu.memory_space<vmem>>
        %dma_start3A_394 = arith.constant 0 : i32
        %dma_start3A_395 = arith.constant 0 : i32
        %dma_start3A_396 = tpu.memref_slice %arg2[%dma_start3A_394, %dma_start3A_395] : memref<10000x32xf32, #tpu.memory_space<hbm>> -> memref<10000x32xf32, #tpu.memory_space<hbm>>
        tpu.enqueue_indirect_dma source(%dma_start3A_396 : memref<10000x32xf32, #tpu.memory_space<hbm>>) target(%dma_start3A_392 : memref<128x32xf32, #tpu.memory_space<vmem>>) offsets(%dma_start3A_393 : memref<128xi32, #tpu.memory_space<vmem>>) semaphore(%arg12 : memref<!tpu.dma_semaphore, #tpu.memory_space<semaphore_mem>>)
        %mul3A_397 = arith.constant 128 : i32
        %mul3A_398 = arith.muli %add3A_385, %mul3A_397 : i32
        %dma_start3A_399 = arith.constant 2 : i32
        %dma_start3A_400 = arith.constant 0 : i32
        %dma_start3A_401 = arith.constant 0 : i32
        %dma_start3A_402 = tpu.memref_slice %arg9[%dma_start3A_399, %dma_start3A_400, %dma_start3A_401] : memref<3x128x32xf32, #tpu.memory_space<vmem>> -> memref<1x128x32xf32, #tpu.memory_space<vmem>>
        %dma_start3A_403 = tpu.memref_squeeze %dma_start3A_402 : memref<1x128x32xf32, #tpu.memory_space<vmem>> -> memref<128x32xf32, #tpu.memory_space<vmem>>
        %dma_start3A_404 = tpu.memref_slice %arg7[%mul3A_398] : memref<10000xi32, #tpu.memory_space<vmem>> -> memref<128xi32, #tpu.memory_space<vmem>>
        %dma_start3A_405 = arith.constant 0 : i32
        %dma_start3A_406 = arith.constant 0 : i32
        %dma_start3A_407 = tpu.memref_slice %arg2[%dma_start3A_405, %dma_start3A_406] : memref<10000x32xf32, #tpu.memory_space<hbm>> -> memref<10000x32xf32, #tpu.memory_space<hbm>>
        tpu.enqueue_indirect_dma source(%dma_start3A_407 : memref<10000x32xf32, #tpu.memory_space<hbm>>) target(%dma_start3A_403 : memref<128x32xf32, #tpu.memory_space<vmem>>) offsets(%dma_start3A_404 : memref<128xi32, #tpu.memory_space<vmem>>) semaphore(%arg15 : memref<!tpu.dma_semaphore, #tpu.memory_space<semaphore_mem>>)
      } else {
      }
    }
    %scan3A_67 = arith.constant 26 : i32
    %dma_start3A_68 = arith.constant 0 : i32
    %dma_start3A_69 = arith.constant 0 : i32
    %dma_start3A_70 = arith.constant 0 : i32
    %dma_start3A_71 = tpu.memref_slice %arg8[%dma_start3A_68, %dma_start3A_69, %dma_start3A_70] : memref<3x128x32xf32, #tpu.memory_space<vmem>> -> memref<1x16x32xf32, #tpu.memory_space<vmem>>
    %dma_start3A_72 = tpu.memref_squeeze %dma_start3A_71 : memref<1x16x32xf32, #tpu.memory_space<vmem>> -> memref<16x32xf32, #tpu.memory_space<vmem>>
    %dma_start3A_73 = arith.constant 9984 : i32
    %dma_start3A_74 = tpu.memref_slice %arg6[%dma_start3A_73] : memref<10000xi32, #tpu.memory_space<vmem>> -> memref<16xi32, #tpu.memory_space<vmem>>
    %dma_start3A_75 = arith.constant 0 : i32
    %dma_start3A_76 = arith.constant 0 : i32
    %dma_start3A_77 = tpu.memref_slice %arg2[%dma_start3A_75, %dma_start3A_76] : memref<10000x32xf32, #tpu.memory_space<hbm>> -> memref<10000x32xf32, #tpu.memory_space<hbm>>
    tpu.enqueue_indirect_dma source(%dma_start3A_77 : memref<10000x32xf32, #tpu.memory_space<hbm>>) target(%dma_start3A_72 : memref<16x32xf32, #tpu.memory_space<vmem>>) offsets(%dma_start3A_74 : memref<16xi32, #tpu.memory_space<vmem>>) semaphore(%arg10 : memref<!tpu.dma_semaphore, #tpu.memory_space<semaphore_mem>>)
    %dma_wait3A = arith.constant 0 : i32
    %dma_wait3A_78 = arith.constant 0 : i32
    %dma_wait3A_79 = arith.constant 0 : i32
    %dma_wait3A_80 = tpu.memref_slice %arg8[%dma_wait3A, %dma_wait3A_78, %dma_wait3A_79] : memref<3x128x32xf32, #tpu.memory_space<vmem>> -> memref<1x16x32xf32, #tpu.memory_space<vmem>>
    %dma_wait3A_81 = tpu.memref_squeeze %dma_wait3A_80 : memref<1x16x32xf32, #tpu.memory_space<vmem>> -> memref<16x32xf32, #tpu.memory_space<vmem>>
    %dma_wait3A_82 = arith.constant 9984 : i32
    %dma_wait3A_83 = tpu.memref_slice %arg6[%dma_wait3A_82] : memref<10000xi32, #tpu.memory_space<vmem>> -> memref<16xi32, #tpu.memory_space<vmem>>
    %dma_wait3A_84 = arith.constant 0 : i32
    %dma_wait3A_85 = arith.constant 0 : i32
    %dma_wait3A_86 = tpu.memref_slice %arg2[%dma_wait3A_84, %dma_wait3A_85] : memref<10000x32xf32, #tpu.memory_space<hbm>> -> memref<10000x32xf32, #tpu.memory_space<hbm>>
    tpu.wait_indirect_dma semaphore(%arg10 : memref<!tpu.dma_semaphore, #tpu.memory_space<semaphore_mem>>) src(%dma_wait3A_86 : memref<10000x32xf32, #tpu.memory_space<hbm>>) dst(%dma_wait3A_81 : memref<16x32xf32, #tpu.memory_space<vmem>>)
    %dma_start3A_87 = arith.constant 0 : i32
    %dma_start3A_88 = arith.constant 0 : i32
    %dma_start3A_89 = arith.constant 0 : i32
    %dma_start3A_90 = tpu.memref_slice %arg9[%dma_start3A_87, %dma_start3A_88, %dma_start3A_89] : memref<3x128x32xf32, #tpu.memory_space<vmem>> -> memref<1x16x32xf32, #tpu.memory_space<vmem>>
    %dma_start3A_91 = tpu.memref_squeeze %dma_start3A_90 : memref<1x16x32xf32, #tpu.memory_space<vmem>> -> memref<16x32xf32, #tpu.memory_space<vmem>>
    %dma_start3A_92 = arith.constant 9984 : i32
    %dma_start3A_93 = tpu.memref_slice %arg7[%dma_start3A_92] : memref<10000xi32, #tpu.memory_space<vmem>> -> memref<16xi32, #tpu.memory_space<vmem>>
    %dma_start3A_94 = arith.constant 0 : i32
    %dma_start3A_95 = arith.constant 0 : i32
    %dma_start3A_96 = tpu.memref_slice %arg2[%dma_start3A_94, %dma_start3A_95] : memref<10000x32xf32, #tpu.memory_space<hbm>> -> memref<10000x32xf32, #tpu.memory_space<hbm>>
    tpu.enqueue_indirect_dma source(%dma_start3A_96 : memref<10000x32xf32, #tpu.memory_space<hbm>>) target(%dma_start3A_91 : memref<16x32xf32, #tpu.memory_space<vmem>>) offsets(%dma_start3A_93 : memref<16xi32, #tpu.memory_space<vmem>>) semaphore(%arg13 : memref<!tpu.dma_semaphore, #tpu.memory_space<semaphore_mem>>)
    %dma_wait3A_97 = arith.constant 0 : i32
    %dma_wait3A_98 = arith.constant 0 : i32
    %dma_wait3A_99 = arith.constant 0 : i32
    %dma_wait3A_100 = tpu.memref_slice %arg9[%dma_wait3A_97, %dma_wait3A_98, %dma_wait3A_99] : memref<3x128x32xf32, #tpu.memory_space<vmem>> -> memref<1x16x32xf32, #tpu.memory_space<vmem>>
    %dma_wait3A_101 = tpu.memref_squeeze %dma_wait3A_100 : memref<1x16x32xf32, #tpu.memory_space<vmem>> -> memref<16x32xf32, #tpu.memory_space<vmem>>
    %dma_wait3A_102 = arith.constant 9984 : i32
    %dma_wait3A_103 = tpu.memref_slice %arg7[%dma_wait3A_102] : memref<10000xi32, #tpu.memory_space<vmem>> -> memref<16xi32, #tpu.memory_space<vmem>>
    %dma_wait3A_104 = arith.constant 0 : i32
    %dma_wait3A_105 = arith.constant 0 : i32
    %dma_wait3A_106 = tpu.memref_slice %arg2[%dma_wait3A_104, %dma_wait3A_105] : memref<10000x32xf32, #tpu.memory_space<hbm>> -> memref<10000x32xf32, #tpu.memory_space<hbm>>
    tpu.wait_indirect_dma semaphore(%arg13 : memref<!tpu.dma_semaphore, #tpu.memory_space<semaphore_mem>>) src(%dma_wait3A_106 : memref<10000x32xf32, #tpu.memory_space<hbm>>) dst(%dma_wait3A_101 : memref<16x32xf32, #tpu.memory_space<vmem>>)
    %add3A_107 = arith.constant 9984 : i32
    %add3A_108 = arith.addi %mul3A_2, %add3A_107 : i32
    %run_scoped3A_109 = arith.constant 0 : i32
    "tpu.region"() ({
      %run_scoped3A_113 = tpu.sem_alloc : memref<!tpu.dma_semaphore, #tpu.memory_space<semaphore_mem>>
      %dma_start3A_114 = arith.constant 0 : i32
      %dma_start3A_115 = arith.constant 0 : i32
      %dma_start3A_116 = tpu.memref_slice %arg8[%run_scoped3A_109, %dma_start3A_114, %dma_start3A_115] : memref<3x128x32xf32, #tpu.memory_space<vmem>> -> memref<1x16x32xf32, #tpu.memory_space<vmem>>
      %dma_start3A_117 = tpu.memref_squeeze %dma_start3A_116 : memref<1x16x32xf32, #tpu.memory_space<vmem>> -> memref<16x32xf32, #tpu.memory_space<vmem>>
      %dma_start3A_118 = arith.constant 0 : i32
      %dma_start3A_119 = tpu.memref_slice %arg4[%add3A_108, %dma_start3A_118] : memref<320000x32xf32, #tpu.memory_space<hbm>> -> memref<16x32xf32, #tpu.memory_space<hbm>>
      %dma_start3A_120 = arith.constant 0 : i32
      %dma_start3A_121 = tpu.memref_slice %arg4[%add3A_108, %dma_start3A_120] : memref<320000x32xf32, #tpu.memory_space<hbm>> -> memref<16x32xf32, #tpu.memory_space<hbm>>
      %dma_start3A_122 = arith.constant 0 : i32
      %dma_start3A_123 = arith.constant 0 : i32
      %dma_start3A_124 = tpu.memref_slice %arg8[%run_scoped3A_109, %dma_start3A_122, %dma_start3A_123] : memref<3x128x32xf32, #tpu.memory_space<vmem>> -> memref<1x16x32xf32, #tpu.memory_space<vmem>>
      %dma_start3A_125 = tpu.memref_squeeze %dma_start3A_124 : memref<1x16x32xf32, #tpu.memory_space<vmem>> -> memref<16x32xf32, #tpu.memory_space<vmem>>
      tpu.enqueue_dma source(%dma_start3A_125 : memref<16x32xf32, #tpu.memory_space<vmem>>) target(%dma_start3A_121 : memref<16x32xf32, #tpu.memory_space<hbm>>) target_semaphore(%run_scoped3A_113 : memref<!tpu.dma_semaphore, #tpu.memory_space<semaphore_mem>>)
      %dma_wait3A_126 = arith.constant 0 : i32
      %dma_wait3A_127 = arith.constant 0 : i32
      %dma_wait3A_128 = tpu.memref_slice %arg8[%run_scoped3A_109, %dma_wait3A_126, %dma_wait3A_127] : memref<3x128x32xf32, #tpu.memory_space<vmem>> -> memref<1x16x32xf32, #tpu.memory_space<vmem>>
      %dma_wait3A_129 = tpu.memref_squeeze %dma_wait3A_128 : memref<1x16x32xf32, #tpu.memory_space<vmem>> -> memref<16x32xf32, #tpu.memory_space<vmem>>
      %dma_wait3A_130 = arith.constant 0 : i32
      %dma_wait3A_131 = tpu.memref_slice %arg4[%add3A_108, %dma_wait3A_130] : memref<320000x32xf32, #tpu.memory_space<hbm>> -> memref<16x32xf32, #tpu.memory_space<hbm>>
      %dma_wait3A_132 = arith.constant 0 : i32
      %dma_wait3A_133 = tpu.memref_slice %arg4[%add3A_108, %dma_wait3A_132] : memref<320000x32xf32, #tpu.memory_space<hbm>> -> memref<16x32xf32, #tpu.memory_space<hbm>>
      %dma_wait3A_134 = arith.constant 0 : i32
      %dma_wait3A_135 = arith.constant 0 : i32
      %dma_wait3A_136 = tpu.memref_slice %arg8[%run_scoped3A_109, %dma_wait3A_134, %dma_wait3A_135] : memref<3x128x32xf32, #tpu.memory_space<vmem>> -> memref<1x16x32xf32, #tpu.memory_space<vmem>>
      %dma_wait3A_137 = tpu.memref_squeeze %dma_wait3A_136 : memref<1x16x32xf32, #tpu.memory_space<vmem>> -> memref<16x32xf32, #tpu.memory_space<vmem>>
      tpu.wait_dma2 semaphore(%run_scoped3A_113 : memref<!tpu.dma_semaphore, #tpu.memory_space<semaphore_mem>>) src(%dma_wait3A_137 : memref<16x32xf32, #tpu.memory_space<vmem>>) dst(%dma_wait3A_133 : memref<16x32xf32, #tpu.memory_space<hbm>>)
      tpu.yield
    }) : () -> ()
    %add3A_110 = arith.constant 9984 : i32
    %add3A_111 = arith.addi %mul3A_2, %add3A_110 : i32
    %run_scoped3A_112 = arith.constant 0 : i32
    "tpu.region"() ({
      %run_scoped3A_113 = tpu.sem_alloc : memref<!tpu.dma_semaphore, #tpu.memory_space<semaphore_mem>>
      %dma_start3A_114 = arith.constant 0 : i32
      %dma_start3A_115 = arith.constant 0 : i32
      %dma_start3A_116 = tpu.memref_slice %arg9[%run_scoped3A_112, %dma_start3A_114, %dma_start3A_115] : memref<3x128x32xf32, #tpu.memory_space<vmem>> -> memref<1x16x32xf32, #tpu.memory_space<vmem>>
      %dma_start3A_117 = tpu.memref_squeeze %dma_start3A_116 : memref<1x16x32xf32, #tpu.memory_space<vmem>> -> memref<16x32xf32, #tpu.memory_space<vmem>>
      %dma_start3A_118 = arith.constant 0 : i32
      %dma_start3A_119 = tpu.memref_slice %arg5[%add3A_111, %dma_start3A_118] : memref<320000x32xf32, #tpu.memory_space<hbm>> -> memref<16x32xf32, #tpu.memory_space<hbm>>
      %dma_start3A_120 = arith.constant 0 : i32
      %dma_start3A_121 = tpu.memref_slice %arg5[%add3A_111, %dma_start3A_120] : memref<320000x32xf32, #tpu.memory_space<hbm>> -> memref<16x32xf32, #tpu.memory_space<hbm>>
      %dma_start3A_122 = arith.constant 0 : i32
      %dma_start3A_123 = arith.constant 0 : i32
      %dma_start3A_124 = tpu.memref_slice %arg9[%run_scoped3A_112, %dma_start3A_122, %dma_start3A_123] : memref<3x128x32xf32, #tpu.memory_space<vmem>> -> memref<1x16x32xf32, #tpu.memory_space<vmem>>
      %dma_start3A_125 = tpu.memref_squeeze %dma_start3A_124 : memref<1x16x32xf32, #tpu.memory_space<vmem>> -> memref<16x32xf32, #tpu.memory_space<vmem>>
      tpu.enqueue_dma source(%dma_start3A_125 : memref<16x32xf32, #tpu.memory_space<vmem>>) target(%dma_start3A_121 : memref<16x32xf32, #tpu.memory_space<hbm>>) target_semaphore(%run_scoped3A_113 : memref<!tpu.dma_semaphore, #tpu.memory_space<semaphore_mem>>)
      %dma_wait3A_126 = arith.constant 0 : i32
      %dma_wait3A_127 = arith.constant 0 : i32
      %dma_wait3A_128 = tpu.memref_slice %arg9[%run_scoped3A_112, %dma_wait3A_126, %dma_wait3A_127] : memref<3x128x32xf32, #tpu.memory_space<vmem>> -> memref<1x16x32xf32, #tpu.memory_space<vmem>>
      %dma_wait3A_129 = tpu.memref_squeeze %dma_wait3A_128 : memref<1x16x32xf32, #tpu.memory_space<vmem>> -> memref<16x32xf32, #tpu.memory_space<vmem>>
      %dma_wait3A_130 = arith.constant 0 : i32
      %dma_wait3A_131 = tpu.memref_slice %arg5[%add3A_111, %dma_wait3A_130] : memref<320000x32xf32, #tpu.memory_space<hbm>> -> memref<16x32xf32, #tpu.memory_space<hbm>>
      %dma_wait3A_132 = arith.constant 0 : i32
      %dma_wait3A_133 = tpu.memref_slice %arg5[%add3A_111, %dma_wait3A_132] : memref<320000x32xf32, #tpu.memory_space<hbm>> -> memref<16x32xf32, #tpu.memory_space<hbm>>
      %dma_wait3A_134 = arith.constant 0 : i32
      %dma_wait3A_135 = arith.constant 0 : i32
      %dma_wait3A_136 = tpu.memref_slice %arg9[%run_scoped3A_112, %dma_wait3A_134, %dma_wait3A_135] : memref<3x128x32xf32, #tpu.memory_space<vmem>> -> memref<1x16x32xf32, #tpu.memory_space<vmem>>
      %dma_wait3A_137 = tpu.memref_squeeze %dma_wait3A_136 : memref<1x16x32xf32, #tpu.memory_space<vmem>> -> memref<16x32xf32, #tpu.memory_space<vmem>>
      tpu.wait_dma2 semaphore(%run_scoped3A_113 : memref<!tpu.dma_semaphore, #tpu.memory_space<semaphore_mem>>) src(%dma_wait3A_137 : memref<16x32xf32, #tpu.memory_space<vmem>>) dst(%dma_wait3A_133 : memref<16x32xf32, #tpu.memory_space<hbm>>)
      tpu.yield
    }) : () -> ()
    return
  }
}

module attributes {stable_mosaic.version = 14 : i64} {
  func.func @_encode_body(%arg0: i32, %arg1: memref<1000x128xf32, #tpu.memory_space<vmem>>, %arg2: memref<128x32xf32, #tpu.memory_space<vmem>>, %arg3: memref<1x32xf32, #tpu.memory_space<vmem>>, %arg4: memref<1000x32xf32, #tpu.memory_space<vmem>>) attributes {dimension_semantics = [#tpu.dimension_semantics<arbitrary>], iteration_bounds = array<i64: 10>, scalar_prefetch = 0 : i64, scratch_operands = 0 : i64, tpu.core_type = #tpu.core_type<tc>, window_params = [{transform_indices = @transform_0, window_bounds = array<i64: 1000, 128>}, {pipeline_mode = #tpu.pipeline_mode<synchronous>, transform_indices = @transform_1, window_bounds = array<i64: 128, 32>}, {pipeline_mode = #tpu.pipeline_mode<synchronous>, transform_indices = @transform_2, window_bounds = array<i64: 1, 32>}, {transform_indices = @transform_3, window_bounds = array<i64: 1000, 32>}]} {
    %get3A = arith.constant 0 : index
    %get3A_0 = arith.constant 0 : index
    %get3A_1 = vector.load %arg1[%get3A, %get3A_0] : memref<1000x128xf32, #tpu.memory_space<vmem>>, vector<1000x128xf32>
    %get3A_2 = arith.constant 0 : index
    %get3A_3 = arith.constant 0 : index
    %get3A_4 = vector.load %arg2[%get3A_2, %get3A_3] : memref<128x32xf32, #tpu.memory_space<vmem>>, vector<128x32xf32>
    %dot_general3A = arith.constant dense<0.000000e+00> : vector<1000x32xf32>
    %dot_general3A_5 = tpu.matmul %get3A_1, %get3A_4, %dot_general3A {dimension_numbers = #tpu.dot_dimension_numbers<[1], [0], [0], [1], [0, 0, 1, 1], [], []>, transpose_lhs_hint = false} : vector<1000x128xf32>, vector<128x32xf32>, vector<1000x32xf32> -> vector<1000x32xf32>
    %get3A_6 = arith.constant 0 : index
    %get3A_7 = arith.constant 0 : index
    %get3A_8 = vector.load %arg3[%get3A_6, %get3A_7] : memref<1x32xf32, #tpu.memory_space<vmem>>, vector<1x32xf32>
    %add3A = vector.broadcast %get3A_8 : vector<1x32xf32> to vector<1000x32xf32>
    %add3A_9 = arith.addf %dot_general3A_5, %add3A : vector<1000x32xf32>
    %swap3A = arith.constant 0 : index
    %swap3A_10 = arith.constant 0 : index
    %swap3A_11 = vector.load %arg4[%swap3A, %swap3A_10] : memref<1000x32xf32, #tpu.memory_space<vmem>>, vector<1000x32xf32>
    tpu.vector_store %arg4[%swap3A, %swap3A_10], %add3A_9 {strides = array<i32>} : memref<1000x32xf32, #tpu.memory_space<vmem>>, vector<1000x32xf32>,
    return
  }
  func.func @transform_0(%arg0: i32) -> (i32, i32) {
    %c0_i32 = arith.constant 0 : i32
    %c0_i32_0 = arith.constant 0 : i32
    return %arg0, %c0_i32 : i32, i32
  }
  func.func @transform_1(%arg0: i32) -> (i32, i32) {
    %c0_i32 = arith.constant 0 : i32
    %c0_i32_0 = arith.constant 0 : i32
    %c0_i32_1 = arith.constant 0 : i32
    return %c0_i32, %c0_i32_0 : i32, i32
  }
  func.func @transform_2(%arg0: i32) -> (i32, i32) {
    %c0_i32 = arith.constant 0 : i32
    %c0_i32_0 = arith.constant 0 : i32
    %c0_i32_1 = arith.constant 0 : i32
    return %c0_i32, %c0_i32_0 : i32, i32
  }
  func.func @transform_3(%arg0: i32) -> (i32, i32) {
    %c0_i32 = arith.constant 0 : i32
    %c0_i32_0 = arith.constant 0 : i32
    return %arg0, %c0_i32 : i32, i32
  }
}

module attributes {stable_mosaic.version = 14 : i64} {
  func.func @_mlp_body(%arg0: i32, %arg1: memref<3200x128xf32, #tpu.memory_space<vmem>>, %arg2: memref<3200x128xf32, #tpu.memory_space<vmem>>, %arg3: memref<3200x64xf32, #tpu.memory_space<vmem>>, %arg4: memref<128x256xf32, #tpu.memory_space<vmem>>, %arg5: memref<128x256xf32, #tpu.memory_space<vmem>>, %arg6: memref<64x256xf32, #tpu.memory_space<vmem>>, %arg7: memref<1x256xf32, #tpu.memory_space<vmem>>, %arg8: memref<4x256xf32, #tpu.memory_space<vmem>>, %arg9: memref<1x1xf32, #tpu.memory_space<vmem>>, %arg10: memref<4x3200xf32, #tpu.memory_space<vmem>>) attributes {dimension_semantics = [#tpu.dimension_semantics<arbitrary>], iteration_bounds = array<i64: 25>, scalar_prefetch = 0 : i64, scratch_operands = 0 : i64, tpu.core_type = #tpu.core_type<tc>, window_params = [{transform_indices = @transform_0, window_bounds = array<i64: 3200, 128>}, {transform_indices = @transform_1, window_bounds = array<i64: 3200, 128>}, {transform_indices = @transform_2, window_bounds = array<i64: 3200, 64>}, {pipeline_mode = #tpu.pipeline_mode<synchronous>, transform_indices = @transform_3, window_bounds = array<i64: 128, 256>}, {pipeline_mode = #tpu.pipeline_mode<synchronous>, transform_indices = @transform_4, window_bounds = array<i64: 128, 256>}, {pipeline_mode = #tpu.pipeline_mode<synchronous>, transform_indices = @transform_5, window_bounds = array<i64: 64, 256>}, {pipeline_mode = #tpu.pipeline_mode<synchronous>, transform_indices = @transform_6, window_bounds = array<i64: 1, 256>}, {pipeline_mode = #tpu.pipeline_mode<synchronous>, transform_indices = @transform_7, window_bounds = array<i64: 4, 256>}, {pipeline_mode = #tpu.pipeline_mode<synchronous>, transform_indices = @transform_8, window_bounds = array<i64: 1, 1>}, {transform_indices = @transform_9, window_bounds = array<i64: 4, 3200>}]} {
    %get3A = arith.constant 0 : index
    %get3A_0 = arith.constant 0 : index
    %get3A_1 = vector.load %arg1[%get3A, %get3A_0] : memref<3200x128xf32, #tpu.memory_space<vmem>>, vector<3200x128xf32>
    %get3A_2 = arith.constant 0 : index
    %get3A_3 = arith.constant 0 : index
    %get3A_4 = vector.load %arg4[%get3A_2, %get3A_3] : memref<128x256xf32, #tpu.memory_space<vmem>>, vector<128x256xf32>
    %dot_general3A = arith.constant dense<0.000000e+00> : vector<3200x256xf32>
    %dot_general3A_5 = tpu.matmul %get3A_1, %get3A_4, %dot_general3A {dimension_numbers = #tpu.dot_dimension_numbers<[1], [0], [0], [1], [0, 0, 1, 1], [], []>, transpose_lhs_hint = false} : vector<3200x128xf32>, vector<128x256xf32>, vector<3200x256xf32> -> vector<3200x256xf32>
    %get3A_6 = arith.constant 0 : index
    %get3A_7 = arith.constant 0 : index
    %get3A_8 = vector.load %arg2[%get3A_6, %get3A_7] : memref<3200x128xf32, #tpu.memory_space<vmem>>, vector<3200x128xf32>
    %get3A_9 = arith.constant 0 : index
    %get3A_10 = arith.constant 0 : index
    %get3A_11 = vector.load %arg5[%get3A_9, %get3A_10] : memref<128x256xf32, #tpu.memory_space<vmem>>, vector<128x256xf32>
    %dot_general3A_12 = arith.constant dense<0.000000e+00> : vector<3200x256xf32>
    %dot_general3A_13 = tpu.matmul %get3A_8, %get3A_11, %dot_general3A_12 {dimension_numbers = #tpu.dot_dimension_numbers<[1], [0], [0], [1], [0, 0, 1, 1], [], []>, transpose_lhs_hint = false} : vector<3200x128xf32>, vector<128x256xf32>, vector<3200x256xf32> -> vector<3200x256xf32>
    %add3A = arith.addf %dot_general3A_5, %dot_general3A_13 : vector<3200x256xf32>
    %get3A_14 = arith.constant 0 : index
    %get3A_15 = arith.constant 0 : index
    %get3A_16 = vector.load %arg3[%get3A_14, %get3A_15] : memref<3200x64xf32, #tpu.memory_space<vmem>>, vector<3200x64xf32>
    %get3A_17 = arith.constant 0 : index
    %get3A_18 = arith.constant 0 : index
    %get3A_19 = vector.load %arg6[%get3A_17, %get3A_18] : memref<64x256xf32, #tpu.memory_space<vmem>>, vector<64x256xf32>
    %dot_general3A_20 = arith.constant dense<0.000000e+00> : vector<3200x256xf32>
    %dot_general3A_21 = tpu.matmul %get3A_16, %get3A_19, %dot_general3A_20 {dimension_numbers = #tpu.dot_dimension_numbers<[1], [0], [0], [1], [0, 0, 1, 1], [], []>, transpose_lhs_hint = false} : vector<3200x64xf32>, vector<64x256xf32>, vector<3200x256xf32> -> vector<3200x256xf32>
    %add3A_22 = arith.addf %add3A, %dot_general3A_21 : vector<3200x256xf32>
    %get3A_23 = arith.constant 0 : index
    %get3A_24 = arith.constant 0 : index
    %get3A_25 = vector.load %arg7[%get3A_23, %get3A_24] : memref<1x256xf32, #tpu.memory_space<vmem>>, vector<1x256xf32>
    %add3A_26 = vector.broadcast %get3A_25 : vector<1x256xf32> to vector<3200x256xf32>
    %add3A_27 = arith.addf %add3A_22, %add3A_26 : vector<3200x256xf32>
    %max3A = arith.constant 0.000000e+00 : f32
    %max3A_28 = vector.broadcast %max3A : f32 to vector<3200x256xf32>
    %max3A_29 = arith.maximumf %add3A_27, %max3A_28 : vector<3200x256xf32>
    %get3A_30 = arith.constant 0 : index
    %get3A_31 = arith.constant 0 : index
    %get3A_32 = vector.load %arg8[%get3A_30, %get3A_31] : memref<4x256xf32, #tpu.memory_space<vmem>>, vector<4x256xf32>
    %dot_general3A_33 = arith.constant dense<0.000000e+00> : vector<4x3200xf32>
    %dot_general3A_34 = tpu.matmul %get3A_32, %max3A_29, %dot_general3A_33 {dimension_numbers = #tpu.dot_dimension_numbers<[1], [1], [0], [0], [0, 0, 1, 0], [], []>, transpose_lhs_hint = false} : vector<4x256xf32>, vector<3200x256xf32>, vector<4x3200xf32> -> vector<4x3200xf32>
    %get3A_35 = arith.constant 0 : index
    %get3A_36 = arith.constant 0 : index
    %get3A_37 = vector.load %arg9[%get3A_35, %get3A_36] : memref<1x1xf32, #tpu.memory_space<vmem>>, vector<1x1xf32>
    %get3A_38 = vector.extract %get3A_37[0, 0] : f32 from vector<1x1xf32>
    %add3A_39 = vector.broadcast %get3A_38 : f32 to vector<4x3200xf32>
    %add3A_40 = arith.addf %dot_general3A_34, %add3A_39 : vector<4x3200xf32>
    %logistic3A = arith.negf %add3A_40 : vector<4x3200xf32>
    %logistic3A_41 = math.exp %logistic3A : vector<4x3200xf32>
    %logistic3A_42 = arith.constant 1.000000e+00 : f32
    %logistic3A_43 = vector.broadcast %logistic3A_42 : f32 to vector<4x3200xf32>
    %logistic3A_44 = arith.addf %logistic3A_43, %logistic3A_41 : vector<4x3200xf32>
    %logistic3A_45 = arith.divf %logistic3A_43, %logistic3A_44 : vector<4x3200xf32>
    %swap3A = arith.constant 0 : index
    %swap3A_46 = arith.constant 0 : index
    %swap3A_47 = vector.load %arg10[%swap3A, %swap3A_46] : memref<4x3200xf32, #tpu.memory_space<vmem>>, vector<4x3200xf32>
    tpu.vector_store %arg10[%swap3A, %swap3A_46], %logistic3A_45 {strides = array<i32>} : memref<4x3200xf32, #tpu.memory_space<vmem>>, vector<4x3200xf32>,
    return
  }
  func.func @transform_0(%arg0: i32) -> (i32, i32) {
    %c0_i32 = arith.constant 0 : i32
    %c0_i32_0 = arith.constant 0 : i32
    return %arg0, %c0_i32 : i32, i32
  }
  func.func @transform_1(%arg0: i32) -> (i32, i32) {
    %c0_i32 = arith.constant 0 : i32
    %c0_i32_0 = arith.constant 0 : i32
    return %arg0, %c0_i32 : i32, i32
  }
  func.func @transform_2(%arg0: i32) -> (i32, i32) {
    %c0_i32 = arith.constant 0 : i32
    %c0_i32_0 = arith.constant 0 : i32
    return %arg0, %c0_i32 : i32, i32
  }
  func.func @transform_3(%arg0: i32) -> (i32, i32) {
    %c0_i32 = arith.constant 0 : i32
    %c0_i32_0 = arith.constant 0 : i32
    %c0_i32_1 = arith.constant 0 : i32
    return %c0_i32, %c0_i32_0 : i32, i32
  }
  func.func @transform_4(%arg0: i32) -> (i32, i32) {
    %c0_i32 = arith.constant 0 : i32
    %c0_i32_0 = arith.constant 0 : i32
    %c0_i32_1 = arith.constant 0 : i32
    return %c0_i32, %c0_i32_0 : i32, i32
  }
  func.func @transform_5(%arg0: i32) -> (i32, i32) {
    %c0_i32 = arith.constant 0 : i32
    %c0_i32_0 = arith.constant 0 : i32
    %c0_i32_1 = arith.constant 0 : i32
    return %c0_i32, %c0_i32_0 : i32, i32
  }
  func.func @transform_6(%arg0: i32) -> (i32, i32) {
    %c0_i32 = arith.constant 0 : i32
    %c0_i32_0 = arith.constant 0 : i32
    %c0_i32_1 = arith.constant 0 : i32
    return %c0_i32, %c0_i32_0 : i32, i32
  }
  func.func @transform_7(%arg0: i32) -> (i32, i32) {
    %c0_i32 = arith.constant 0 : i32
    %c0_i32_0 = arith.constant 0 : i32
    %c0_i32_1 = arith.constant 0 : i32
    return %c0_i32, %c0_i32_0 : i32, i32
  }
  func.func @transform_8(%arg0: i32) -> (i32, i32) {
    %c0_i32 = arith.constant 0 : i32
    %c0_i32_0 = arith.constant 0 : i32
    %c0_i32_1 = arith.constant 0 : i32
    return %c0_i32, %c0_i32_0 : i32, i32
  }
  func.func @transform_9(%arg0: i32) -> (i32, i32) {
    %c0_i32 = arith.constant 0 : i32
    %c0_i32_0 = arith.constant 0 : i32
    return %c0_i32, %arg0 : i32, i32
  }
}

</mosaic_0001>

<sc_bundles>
// kernel: kernel.5.cloned.1.call-start
scs
__scs_entry_jumppad:
0x0: {  	(pc) =	sbr.rel $0x88, $3  }
0x1: {  	(tag) =	ssettag $0x0;
	lr =	simm.s32 $0x1  }
0x2: {  	[smem:$0x3F98] =	sst lr;
	_ =	strace $0xD0000000  }
0x3: {  	_ = 	snop  }
0x4: {  	_ = 	snop  }
0x5: {  	_ = 	snop  }
0x6: {  	_ = 	snop  }
0x7: {  	_ = 	snop  }
__scs_overlays_trampoline_lowered:
0x8: {  	[smem:$0x3FA7] =	sst s0  }
0x9: {  	[smem:$0x3FA8] =	sst s1  }
0xa: {  	[smem:$0x3FA9] =	sst s2  }
0xb: {  	[smem:$0x3FAA] =	sst s3  }
0xc: {  	[smem:$0x3FAB] =	sst s4  }
0xd: {  	[smem:$0x3FAC] =	sst s5  }
0xe: {  	[smem:$0x3FAD] =	sst s6  }
0xf: {  	[smem:$0x3FAE] =	sst s7  }
0x10: {  	[smem:$0x3FAF] =	sst s8  }
0x11: {  	[smem:$0x3FB0] =	sst s9;
	s0 =	simm.s32 @!p0 $0x0  }
0x12: {  	s1 =	sld [smem:$0x3F96];
	s0 =	simm.s32 @p0 $0x1  }
0x13: {  	[smem:$0x3FB1] =	sst s0;
	s0 =	simm.s32 @!p1 $0x0  }
0x14: {  	s2 =	sld [smem:$0x3F95];
	s0 =	simm.s32 @p1 $0x1  }
0x15: {  	[smem:$0x3FB2] =	sst s0;
	s0 =	simm.s32 @!p2 $0x0  }
0x16: {  	s3 =	sld [smem:$0x3FDB];
	s0 =	simm.s32 @p2 $0x1  }
0x17: {  	s4 =	simm.s32 $0x1BF5;
	[smem:$0x3FB4] =	sst s0  }
0x18: {  	s0 =	sld [smem:$0x3F97];
	_ =	swait.ge [sflag:s4], $0x0  }
0x19: {  	s7 =	sld [smem:$0x3F98]  }
0x1a: {  	s8 =	sadd.s32 $0xFFFFE003, lr  }
0x1b: {  	s9 =	sadd.s32 $0xFFFFFEF7, lr;
	s5 =	simm.s32 $0xFFFFFFFF;
	p2 =	slt.u32 s8, $0xFFFFF086  }
0x1c: {  	p1 =	slt.u32 s9, $0xF7A;
	s5 =	simm.s32 @!p2 $0x0  }
0x1d: {  	s5 =	simm.s32 @p1 $0x1;
	p0 =	seq.s32 s7, s2  }
0x1e: {  	s7 =	smul.u32 @!p0 $0xF7A, s2;
	p2 =	seq.s32 @!p0 s5, $0x0  }
0x1f: {  	s9 =	smul.u32 $0xF7A, s1;
	s8 =	simm.s32 @!p0 $0x1BF5;
	p2 =	por !p2, p0  }
0x20: {  	[sflag:s8] =	ssyncset.s32 @!p0 $0xFFFFF086;
	s6 =	sadd.s32 @!p0 s3, s7;
	s7 =	simm.s32 @!p0 $0x108  }
0x21: {  	s3 =	sadd.s32 s3, s9;
	s6 =	sadd.s32 @!p0 $0x88, s6;
	s7 =	simm.s32 @p2 $0x1082  }
0x22: {  	[simem:s7], [sflag:s8] =	dma.local @!p0 [hbm:s6], $0xF7A  }
0x23: {  	s9 =	sor.u32 $0xD0000000, s2;
	s6 =	simm.s32 $0x108;
	_ =	swait.ge @!p0 [sflag:s8], $0x0  }
0x24: {  	s3 =	sadd.s32 $0x88, s3;
	s6 =	simm.s32 @!p1 $0x1082;
	[sflag:s4] =	ssyncset.s32 $0xFFFFF086  }
0x25: {  	[simem:s6], [sflag:s4] =	dma.local [hbm:s3], $0xF7A  }
0x26: {  	[smem:$0x3F98] =	sst s1;
	(tag) =	ssettag s2;
	_ =	strace s9  }
0x27: {  	s1 =	sld [smem:$0x3FA8]  }
0x28: {  	s2 =	sld [smem:$0x3FA9]  }
0x29: {  	s4 =	sld [smem:$0x3FAB]  }
0x2a: {  	p0 =	seq.s32 s5, $0x0;
	s5 =	sld [smem:$0x3FAC]  }
0x2b: {  	s6 =	sld [smem:$0x3FAD]  }
0x2c: {  	s7 =	sld [smem:$0x3FAE]  }
0x2d: {  	s3 =	simm.s32 $0x108;
	s8 =	sld [smem:$0x3FAF]  }
0x2e: {  	s3 =	simm.s32 @!p0 $0x1082;
	s9 =	sld [smem:$0x3FB0]  }
0x2f: {  	lr =	sadd.s32 s0, s3;
	s0 =	sld [smem:$0x3FA7]  }
0x30: {  	s3 =	sld [smem:$0x3FAA]  }
0x31: {  	[smem:$0x3FB3] =	sst s10  }
0x32: {  	s10 =	sld [smem:$0x3FB1];
	_ =	sdelay $0x3  }
0x33: {  	p0 =	seq.s32 s10, $0x1;
	s10 =	sld [smem:$0x3FB3];
	_ =	sdelay $0x3  }
0x34: {  	[smem:$0x3FB3] =	sst s10  }
0x35: {  	s10 =	sld [smem:$0x3FB2];
	_ =	sdelay $0x3  }
0x36: {  	p1 =	seq.s32 s10, $0x1;
	s10 =	sld [smem:$0x3FB3];
	_ =	sdelay $0x3  }
0x37: {  	[smem:$0x3FB3] =	sst s10  }
0x38: {  	s10 =	sld [smem:$0x3FB4]  }
0x39: {  	_ = 	snop;
	(pc) =	sbr.ind lr, $3  }
0x3a: {  	_ = 	snop  }
0x3b: {  	_ = 	snop  }
0x3c: {  	p2 =	seq.s32 s10, $0x1;
	s10 =	sld [smem:$0x3FB3]  }
0x3d: {  	_ =	shalt  }
0x3e: {  	_ =	shalt  }
0x3f: {  	_ =	shalt  }
0x40: {  	_ =	shalt  }
0x41: {  	_ =	shalt  }
0x42: {  	_ =	shalt  }
0x43: {  	_ =	shalt  }
0x44: {  	_ =	shalt  }
0x45: {  	_ =	shalt  }
0x46: {  	_ =	shalt  }
0x47: {  	_ =	shalt  }
0x48: {  	_ =	shalt  }
0x49: {  	_ =	shalt  }
0x4a: {  	_ =	shalt  }
0x4b: {  	_ =	shalt  }
0x4c: {  	_ =	shalt  }
0x4d: {  	_ =	shalt  }
0x4e: {  	_ =	shalt  }
0x4f: {  	_ =	shalt  }
0x50: {  	_ =	shalt  }
0x51: {  	_ =	shalt  }
0x52: {  	_ =	shalt  }
0x53: {  	_ =	shalt  }
0x54: {  	_ =	shalt  }
0x55: {  	_ =	shalt  }
0x56: {  	_ =	shalt  }
0x57: {  	_ =	shalt  }
0x58: {  	_ =	shalt  }
0x59: {  	_ =	shalt  }
0x5a: {  	_ =	shalt  }
0x5b: {  	_ =	shalt  }
0x5c: {  	_ =	shalt  }
0x5d: {  	_ =	shalt  }
0x5e: {  	_ =	shalt  }
0x5f: {  	_ =	shalt  }
0x60: {  	_ =	shalt  }
0x61: {  	_ =	shalt  }
0x62: {  	_ =	shalt  }
0x63: {  	_ =	shalt  }
0x64: {  	_ =	shalt  }
0x65: {  	_ =	shalt  }
0x66: {  	_ =	shalt  }
0x67: {  	_ =	shalt  }
0x68: {  	_ =	shalt  }
0x69: {  	_ =	shalt  }
0x6a: {  	_ =	shalt  }
0x6b: {  	_ =	shalt  }
0x6c: {  	_ =	shalt  }
0x6d: {  	_ =	shalt  }
0x6e: {  	_ =	shalt  }
0x6f: {  	_ =	shalt  }
0x70: {  	_ =	shalt  }
0x71: {  	_ =	shalt  }
0x72: {  	_ =	shalt  }
0x73: {  	_ =	shalt  }
0x74: {  	_ =	shalt  }
0x75: {  	_ =	shalt  }
0x76: {  	_ =	shalt  }
0x77: {  	_ =	shalt  }
0x78: {  	_ =	shalt  }
0x79: {  	_ =	shalt  }
0x7a: {  	_ =	shalt  }
0x7b: {  	_ =	shalt  }
0x7c: {  	_ =	shalt  }
0x7d: {  	_ =	shalt  }
0x7e: {  	_ =	shalt  }
0x7f: {  	_ =	shalt  }
0x80: {  	_ =	shalt  }
0x81: {  	_ =	shalt  }
0x82: {  	_ =	shalt  }
0x83: {  	_ =	shalt  }
0x84: {  	_ =	shalt  }
0x85: {  	_ =	shalt  }
0x86: {  	_ =	shalt  }
0x87: {  	_ =	shalt  }
.Lfunc_end0:
.L_simem_size_0:
called_computation_lowered:
.L_overlay_start_0:
0x88: {  	s2 =	sld [smem:$0x3FD9]  }
0x89: {  	s3 =	sld [smem:$0x3FFE];
	_ =	sdelay $0x1  }
0x8a: {  	s1 =	srdreg.scid  }
0x8b: {  	s0 =	sand.u32 $0x1, s1  }
0x8c: {  	s17 =	sshll.u32 s0, $0xA;
	s2 =	sadd.s32 s3, s2  }
0x8d: {  	s2 =	sadd.s32 s2, s17  }
0x8e: {  	[smem:$0x3FBF] =	sst s2  }
0x8f: {  	_ = 	snop  }
0x90: {  	s2 =	sld [smem:$0x3FD0];
	(tm) =	ssettm $0x1  }
0x91: {  	s18 =	sld [smem:$0x3FFB];
	_ =	sdelay $0x3  }
0x92: {  	_ =	strace s18  }
0x93: {  	s3 =	sld [smem:$0x3FFC];
	_ =	sdelay $0x3  }
0x94: {  	_ =	strace s3  }
0x95: {  	s3 =	sld [smem:$0x3FFD];
	_ =	sdelay $0x3  }
0x96: {  	_ =	strace s3  }
0x97: {  	_ =	strace $0x8FFFFFFF  }
0x98: {  	s19 =	sld [smem:$0x3FDB];
	_ =	sdelay $0x1  }
0x99: {  	s4 =	simm.s32 $_scs_section_size  }
0x9a: {  	s5 =	simm.s32 $_size__tile_overlayer_lowered;
	s6 =	simm.s32 $_tile_overlayer_lowered  }
0x9b: {  	s22 =	simm.s32 $0x1BFF;
	s21 =	sshll.u32 s6, $0x1;
	s3 =	sadd.s32 s4, s19  }
0x9c: {  	s7 =	simm.s32 $0x0;
	s20 =	sshll.u32 s5, $0x1;
	s5 =	sadd.s32 s21, s3  }
0x9d: {  	[timem:s7], [sflag:s22] =	dma.local [hbm:s5], s20  }
0x9e: {  	_ =	swait.ge [sflag:s22], s20  }
0x9f: {  	s4 =	ssub.s32 $0x0, s20;
	[sflag:s22] =	ssyncset.done $0x0  }
0xa0: {  	[sflag:s22] =	ssyncadd.s32 s4;
	_ =	sdelay $0x1  }
0xa1: {  	s23 =	simm.s32 $0x1B8B  }
0xa2: {  	_ =	swait.ge [sflag:s23], $0x1  }
0xa3: {  	[sflag:s23] =	ssyncset.done $0x0  }
0xa4: {  	s25 =	simm.s32 $0x1B8E;
	s24 =	sld [smem:$0x3FFE];
	[sflag:s23] =	ssyncadd.s32 $0xFFFFFFFF  }
0xa5: {  	s26 =	simm.s32 $execute0_lowered;
	[smem:$0x3FD2] =	sst s25  }
0xa6: {  	s5 =	sshll.u32 s26, $0x1;
	_ =	strace $0x80000046;
	[dreg:$0x1] =	wrdreg $0xFFFFFFFF  }
0xa7: {  	s28 =	simm.s32 $_size_execute0_lowered;
	s3 =	sadd.s32 s3, s5;
	[dreg:$0x0] =	wrdreg $0x0  }
0xa8: {  	s5 =	sshll.u32 s28, $0x1;
	[dreg:$0x2] =	wrdreg s3  }
0xa9: {  	[dreg:$0x3] =	wrdreg s5  }
0xaa: {  	[dreg:$0x4] =	wrdreg $0xC0  }
0xab: {  	_ =	task [dreg:s7], $0x5FFFF  }
0xac: {  	[dreg:$0x1] =	wrdreg $0xFFFFFFFF  }
0xad: {  	[dreg:$0x0] =	wrdreg $0x60  }
0xae: {  	[dreg:$0x2] =	wrdreg s2  }
0xaf: {  	[dreg:$0x3] =	wrdreg s24  }
0xb0: {  	[dreg:$0x4] =	wrdreg $0x9  }
0xb1: {  	_ =	task.clear_ibuf [dreg:s7], $0x5FFFF;
	_ =	strace $0x90000046  }
0xb2: {  	s29 =	simm.s32 $0x9;
	_ =	strace $0x80000048  }
0xb3: {  	_ =	swait.ge [sflag:s29], $0x1  }
0xb4: {  	[sflag:s29] =	ssyncadd.s32 $0xFFFFFFFF  }
0xb5: {  	_ =	strace $0x90000048  }
0xb6: {  	_ =	sfence  }
0xb7: {  	s30 =	sld [smem:$0x0];
	_ =	sdelay $0x2  }
0xb8: {  	s31 =	sshll.u32 s1, $0xD;
	s1 =	sshrl.u32 s1, $0x2  }
0xb9: {  	s3 =	sand.u32 $0x4000, s31;
	s1 =	sadd.s32 s1, s30  }
0xba: {  	s0 =	sor.u32 s3, s0;
	s1 =	sshll.u32 s1, $0x11  }
0xbb: {  	s0 =	sor.u32 s1, s0  }
0xbc: {  	s0 =	sadd.s32 $0x8F2B, s0  }
0xbd: {  	[sflag:s0] =	ssyncadd.remote.s32 $0x1  }
0xbe: {  	_ =	sfence.sel $0xFFFF  }
0xbf: {  	[dreg:$0x0] =	wrdreg $0xFFFFFFFF;
	(pc) =	sbr.abs _section_cstart, $3  }
0xc0: {  	[dreg:$0x1] =	wrdreg $0xFFFFFFFF  }
0xc1: {  	_ =	task.clear_ibuf [dreg:s7], $0x2FFFF;
	_ =	strace $0x9FFFFFFF  }
0xc2: {  	(tm) =	ssettm $0x7FFFFFFF  }
0xc3: {  	_ =	shalt  }
tec
execute0_lowered:
.L_overlay_start_1:
0x0: {  	(tag) =	ssettag $0x1  }
0x1: {  	s0 =	srdreg.scid;
	s2 =	rddreg [dreg:$0x0]  }
0x2: {  	s11 =	stileid.u32;
	s4 =	rddreg [dreg:$0x1]  }
0x3: {  	s3 =	simm.s32 $0x0;
	s16 =	simm.s32 $0x2710;
	s17 =	simm.s32 $0x80  }
0x4: {  	s18 =	simm.s32 $0x4E20;
	s19 =	simm.s32 $0x7E20;
	s20 =	simm.s32 $0x5E20  }
0x5: {  	s28 =	simm.s32 $0x1;
	s29 =	simm.s32 $0x4;
	s7 =	smul.u32 $0x4E20, s11  }
0x6: {  	s30 =	simm.s32 $0x2;
	s0 =	sand.u32 $0x1, s0;
	s15 =	smul.u32 $0x13880, s11  }
0x7: {  	s31 =	simm.s32 $0x5;
	s1 =	sshll.u32 s11, $0x1;
	s9 =	smul.u32 $0x2710, s0  }
0x8: {  	s1 =	sor.u32 s0, s1;
	s6 =	ssub.s32 $0x2, s0;
	s0 =	smul.u32 $0x9C40, s0  }
0x9: {  	[smem:$0x7FF] =	sst s3;
	s14 =	sadd.s32 $0x14DC00, s4;
	s5 =	smul.u32 $0x2710, s1  }
0xa: {  	s13 =	sadd.s32 $0x15400, s4;
	_ =	strace $0x80000047;
	s1 =	smul.u32 $0x4E200, s1  }
0xb: {  	s8 =	sshrl.u32 s6, $0x1;
	s25 =	sadd.s32 s15, s14;
	s26 =	sadd.s32 s15, s13  }
0xc: {  	s15 =	simm.s32 $0x7;
	s8 =	ssub.s32 s6, s8;
	s7 =	sadd.s32 s9, s7  }
0xd: {  	s5 =	sshrl.u32 s5, $0x3;
	s1 =	sshrl.u32 s1, $0x3;
	s10 =	sshll.u32 s7, $0x2  }
0xe: {  	s8 =	smax.u32 s8, $0x1;
	s5 =	sadd.s32 s5, s4;
	s1 =	sadd.s32 $0x9C00, s1  }
0xf: {  	s24 =	sadd.s32 $0x400, s10;
	s12 =	sadd.s32 $0x200, s10;
	s21 =	sadd.s32 $0x1A00, s5  }
0x10: {  	s22 =	sadd.s32 $0xB640, s5;
	s23 =	sadd.s32 s13, s1;
	s1 =	sadd.s32 s14, s1  }
0x11: {  	s9 =	sadd.s32 s24, s13;
	s10 =	sadd.s32 s24, s14;
	s11 =	sadd.s32 s12, s13  }
.Ltmp0:
0x12: {  	s12 =	sadd.s32 s12, s14;
	[dreg:$0x3] =	wrdreg s21;
	(pc) =	sbr.rel .LBB2_1-.Ltmp0, $4  }
0x13: {  	s13 =	sadd.s32 s0, s25;
	s14 =	sadd.s32 s0, s26;
	[dreg:$0x4] =	wrdreg s22  }
0x14: {  	s24 =	simm.s32 $0x6E20;
	s26 =	simm.s32 $0x9E20;
	[dreg:$0x5] =	wrdreg s23  }
0x15: {  	s0 =	simm.s32 $0x6;
	[dreg:$0x6] =	wrdreg s1;
	s22 =	simm.s32 $0x8E20  }
0x16: {  	s1 =	simm.s32 $0x3;
	s21 =	simm.s32 $0x10;
	s23 =	simm.s32 $0x0  }
.LBB2_4:
0x17: {  	s4 =	simm.s32 $0x2700  }
0x18: {  	[tilespmem:s18], [sflag:$0x1] =	stream.indirect.gather [hbm4b:s2+s21], $0x20, s4, s21, $0xb8;
	[tilespmem:$0xAE20] =	vst v63  }
0x19: {  	_ =	swait.ge [sflag:s28], $0x200  }
0x1a: {  	[sflag:s28] =	ssyncset.done $0x0  }
0x1b: {  	s6 =	simm.s32 $0x4E10;
	[sflag:s28] =	ssyncadd.s32 $0xFFFFFE00  }
0x1c: {  	[tilespmem:s19], [sflag:$0x4] =	stream.indirect.gather [hbm4b:s2+s21], $0x20, s6, s21, $0xb8;
	[tilespmem:$0xAE20] =	vst v63  }
0x1d: {  	_ =	swait.ge [sflag:s29], $0x200  }
0x1e: {  	[sflag:s29] =	ssyncset.done $0x0  }
0x1f: {  	s7 =	rddreg [dreg:$0x5];
	[sflag:s29] =	ssyncadd.s32 $0xFFFFFE00  }
0x20: {  	[hbm4b:s7+s3] =	stream.linear.scatter [tilespmem:s18], [sflag:$0x7], $0x200, $0x38;
	[tilespmem:$0xAE20] =	vst v63  }
0x21: {  	s23 =	sadd.s32 $0x1, s23;
	_ =	swait.ge [sflag:s15], $0x200  }
0x22: {  	p0 =	sne.s32 s23, s8;
	[sflag:s15] =	ssyncset.done $0x0  }
.Ltmp1:
0x23: {  	s25 =	rddreg [dreg:$0x6];
	[sflag:s15] =	ssyncadd.s32 $0xFFFFFE00;
	(pc) =	sbr.rel @!p0 .LBB2_5-.Ltmp1, $4  }
0x24: {  	[hbm4b:s25+s3] =	stream.linear.scatter [tilespmem:s19], [sflag:$0x7], $0x200, $0x38;
	[tilespmem:$0xAE20] =	vst v63  }
0x25: {  	_ =	swait.ge [sflag:s15], $0x200  }
0x26: {  	[sflag:s15] =	ssyncset.done $0x0  }
0x27: {  	[sflag:s15] =	ssyncadd.s32 $0xFFFFFE00  }
.LBB2_1:
0x28: {  	s4 =	rddreg [dreg:$0x3]  }
0x29: {  	[tilespmem:s3], [sflag:$0x7] =	stream.linear.gather [hbm4b:s4+s3], $0x2710, $0x38;
	[tilespmem:$0xAE20] =	vst v63  }
0x2a: {  	_ =	swait.ge [sflag:s15], $0x2710  }
0x2b: {  	[sflag:s15] =	ssyncset.done $0x0  }
0x2c: {  	s5 =	rddreg [dreg:$0x4];
	[sflag:s15] =	ssyncadd.s32 $0xFFFFD8F0  }
0x2d: {  	[tilespmem:s16], [sflag:$0x7] =	stream.linear.gather [hbm4b:s5+s3], $0x2710, $0x38;
	[tilespmem:$0xAE20] =	vst v63  }
0x2e: {  	_ =	swait.ge [sflag:s15], $0x2710  }
0x2f: {  	[sflag:s15] =	ssyncset.done $0x0  }
0x30: {  	[sflag:s15] =	ssyncadd.s32 $0xFFFFD8F0  }
0x31: {  	[tilespmem:s18], [sflag:$0x1] =	stream.indirect.gather [hbm4b:s2+s17], $0x20, s3, s17, $0xb8;
	[tilespmem:$0xAE20] =	vst v63  }
0x32: {  	_ = 	snop  }
0x33: {  	[tilespmem:s19], [sflag:$0x4] =	stream.indirect.gather [hbm4b:s2+s17], $0x20, s16, s17, $0xb8;
	[tilespmem:$0xAE20] =	vst v63  }
0x34: {  	_ = 	snop  }
0x35: {  	[tilespmem:s20], [sflag:$0x2] =	stream.indirect.gather [hbm4b:s2+s17], $0x20, s17, s17, $0xb8;
	[tilespmem:$0xAE20] =	vst v63  }
0x36: {  	s6 =	simm.s32 $0x2790  }
0x37: {  	[tilespmem:s22], [sflag:$0x5] =	stream.indirect.gather [hbm4b:s2+s17], $0x20, s6, s17, $0xb8;
	[tilespmem:$0xAE20] =	vst v63  }
0x38: {  	s7 =	simm.s32 $0x100  }
0x39: {  	[tilespmem:s24], [sflag:$0x3] =	stream.indirect.gather [hbm4b:s2+s17], $0x20, s7, s17, $0xb8;
	[tilespmem:$0xAE20] =	vst v63  }
0x3a: {  	s25 =	simm.s32 $0x2810  }
0x3b: {  	[tilespmem:s26], [sflag:$0x6] =	stream.indirect.gather [hbm4b:s2+s17], $0x20, s25, s17, $0xb8;
	[tilespmem:$0xAE20] =	vst v63  }
0x3c: {  	s25 =	simm.s32 $0x0  }
.LBB2_2:
0x3d: {  	_ =	swait.ge [sflag:s28], $0x1000  }
0x3e: {  	[sflag:s28] =	ssyncset.done $0x0  }
0x3f: {  	[sflag:s28] =	ssyncadd.s32 $0xFFFFF000  }
0x40: {  	_ =	swait.ge [sflag:s29], $0x1000  }
0x41: {  	[sflag:s29] =	ssyncset.done $0x0  }
0x42: {  	s4 =	sadd.s32 s25, s14;
	[sflag:s29] =	ssyncadd.s32 $0xFFFFF000  }
0x43: {  	[hbm4b:s4+s3] =	stream.linear.scatter [tilespmem:s18], [sflag:$0x1], $0x1000, $0x38;
	[tilespmem:$0xAE20] =	vst v63  }
0x44: {  	s6 =	sadd.s32 s25, s13  }
0x45: {  	[hbm4b:s6+s3] =	stream.linear.scatter [tilespmem:s19], [sflag:$0x4], $0x1000, $0x38;
	[tilespmem:$0xAE20] =	vst v63  }
0x46: {  	_ =	swait.ge [sflag:s28], $0x1000  }
0x47: {  	[sflag:s28] =	ssyncset.done $0x0  }
0x48: {  	[sflag:s28] =	ssyncadd.s32 $0xFFFFF000  }
0x49: {  	p0 =	seq.s32 s25, $0x9600;
	_ =	swait.ge [sflag:s29], $0x1000  }
0x4a: {  	s7 =	simm.s32 @!p0 $0x4E20;
	s4 =	sshra.s32 @!p0 s25, $0x2;
	[sflag:s29] =	ssyncset.done $0x0  }
0x4b: {  	s5 =	sadd.s32 @!p0 $0x180, s4;
	s6 =	simm.s32 @!p0 $0x80;
	[sflag:s29] =	ssyncadd.s32 $0xFFFFF000  }
0x4c: {  	[tilespmem:s7], [sflag:$0x1] =	stream.indirect.gather @!p0 [hbm4b:s2+s6], $0x20, s5, s6, $0xb8;
	[tilespmem:$0xAE20] =	vst v63  }
0x4d: {  	s5 =	sadd.s32 @!p0 $0x2890, s4;
	s7 =	simm.s32 @!p0 $0x7E20  }
0x4e: {  	[tilespmem:s7], [sflag:$0x4] =	stream.indirect.gather @!p0 [hbm4b:s2+s6], $0x20, s5, s6, $0xb8;
	[tilespmem:$0xAE20] =	vst v63  }
0x4f: {  	_ =	swait.ge [sflag:s30], $0x1000  }
0x50: {  	[sflag:s30] =	ssyncset.done $0x0  }
0x51: {  	[sflag:s30] =	ssyncadd.s32 $0xFFFFF000  }
0x52: {  	_ =	swait.ge [sflag:s31], $0x1000  }
0x53: {  	[sflag:s31] =	ssyncset.done $0x0  }
0x54: {  	s7 =	sadd.s32 s25, s11;
	[sflag:s31] =	ssyncadd.s32 $0xFFFFF000  }
0x55: {  	[hbm4b:s7+s3] =	stream.linear.scatter [tilespmem:s20], [sflag:$0x2], $0x1000, $0x38;
	[tilespmem:$0xAE20] =	vst v63  }
0x56: {  	s7 =	sadd.s32 s25, s12  }
0x57: {  	[hbm4b:s7+s3] =	stream.linear.scatter [tilespmem:s22], [sflag:$0x5], $0x1000, $0x38;
	[tilespmem:$0xAE20] =	vst v63  }
0x58: {  	_ =	swait.ge [sflag:s30], $0x1000  }
0x59: {  	[sflag:s30] =	ssyncset.done $0x0  }
0x5a: {  	[sflag:s30] =	ssyncadd.s32 $0xFFFFF000  }
0x5b: {  	_ =	swait.ge [sflag:s31], $0x1000  }
0x5c: {  	[sflag:s31] =	ssyncset.done $0x0  }
0x5d: {  	s5 =	sadd.s32 @!p0 $0x200, s4;
	s7 =	simm.s32 @!p0 $0x5E20;
	[sflag:s31] =	ssyncadd.s32 $0xFFFFF000  }
0x5e: {  	[tilespmem:s7], [sflag:$0x2] =	stream.indirect.gather @!p0 [hbm4b:s2+s6], $0x20, s5, s6, $0xb8;
	[tilespmem:$0xAE20] =	vst v63  }
0x5f: {  	s4 =	sadd.s32 @!p0 $0x2910, s4;
	s5 =	simm.s32 @!p0 $0x8E20  }
0x60: {  	[tilespmem:s5], [sflag:$0x5] =	stream.indirect.gather @!p0 [hbm4b:s2+s6], $0x20, s4, s6, $0xb8;
	[tilespmem:$0xAE20] =	vst v63  }
0x61: {  	_ =	swait.ge [sflag:s1], $0x1000  }
0x62: {  	[sflag:s1] =	ssyncset.done $0x0  }
0x63: {  	[sflag:s1] =	ssyncadd.s32 $0xFFFFF000  }
0x64: {  	_ =	swait.ge [sflag:s0], $0x1000  }
0x65: {  	[sflag:s0] =	ssyncset.done $0x0  }
0x66: {  	s6 =	sadd.s32 s25, s9;
	[sflag:s0] =	ssyncadd.s32 $0xFFFFF000  }
0x67: {  	[hbm4b:s6+s3] =	stream.linear.scatter [tilespmem:s24], [sflag:$0x3], $0x1000, $0x38;
	[tilespmem:$0xAE20] =	vst v63  }
0x68: {  	s7 =	sadd.s32 s25, s10  }
0x69: {  	[hbm4b:s7+s3] =	stream.linear.scatter [tilespmem:s26], [sflag:$0x6], $0x1000, $0x38;
	[tilespmem:$0xAE20] =	vst v63  }
0x6a: {  	_ =	swait.ge [sflag:s1], $0x1000  }
.Ltmp2:
0x6b: {  	[sflag:s1] =	ssyncset.done $0x0;
	(pc) =	sbr.rel @p0 .LBB2_4-.Ltmp2, $4  }
0x6c: {  	[sflag:s1] =	ssyncadd.s32 $0xFFFFF000  }
0x6d: {  	_ =	swait.ge [sflag:s0], $0x1000  }
0x6e: {  	[sflag:s0] =	ssyncset.done $0x0  }
0x6f: {  	[sflag:s0] =	ssyncadd.s32 $0xFFFFF000  }
.Ltmp3:
0x70: {  	s4 =	sshra.s32 s25, $0x2;
	(pc) =	sbr.rel .LBB2_2-.Ltmp3, $4  }
0x71: {  	s5 =	sadd.s32 $0x280, s4  }
0x72: {  	[tilespmem:s24], [sflag:$0x3] =	stream.indirect.gather [hbm4b:s2+s17], $0x20, s5, s17, $0xb8;
	[tilespmem:$0xAE20] =	vst v63  }
0x73: {  	s25 =	sadd.s32 $0x600, s25;
	s4 =	sadd.s32 $0x2990, s4  }
0x74: {  	[tilespmem:s26], [sflag:$0x6] =	stream.indirect.gather [hbm4b:s2+s17], $0x20, s4, s17, $0xb8;
	[tilespmem:$0xAE20] =	vst v63  }
.LBB2_5:
0x75: {  	_ =	sfence.sel $0x180000  }
0x76: {  	[bflag:$0x0] =	sbarrier.arrive $0xFFFF  }
0x77: {  	_ =	strace $0x90000047  }
0x78: {  	s0 =	stileid.u32;
	[bflag:$0x2] =	sbarrier.arrive $0xFFFF  }
0x79: {  	p0 =	sne.s32 s0, $0x0;
	s0 =	rddreg [dreg:$0x2]  }
0x7a: {  	s0 =	sadd.s32 @!p0 $0x100000, s0  }
0x7b: {  	[sflag:s0] =	ssyncadd.tile.s32 @!p0 $0x1;
	_ =	shalt  }
.Lfunc_end2:
_tile_overlayer_lowered:
.L_overlay_start_2:
0x7c: {  	(tag) =	ssettag $0x2  }
0x7d: {  	s0 =	rddreg [dreg:$0x0];
	s2 =	stileid.u32  }
0x7e: {  	s1 =	rddreg [dreg:$0x1];
	p0 =	sne.s32 s2, $0x0  }
0x7f: {  	s3 =	rddreg [dreg:$0x2];
	[bflag:$0x3] =	sbarrier.arrive $0xFFFF;
	s2 =	simm.s32 @!p0 $0x1C07  }
0x80: {  	[timem:s3], [sflag:s2] =	dma.local @!p0 [hbm:s0], s1  }
0x81: {  	s0 =	simm.s32 @!p0 $0x7  }
0x82: {  	_ =	swait.ge @!p0 [sflag:s0], s1  }
0x83: {  	s1 =	ssub.s32 @!p0 $0x0, s1;
	[sflag:s0] =	ssyncset.done @!p0 $0x0  }
0x84: {  	[sflag:s0] =	ssyncadd.s32 @!p0 s1  }
0x85: {  	[bflag:$0x3] =	sbarrier.arrive $0xFFFF  }
0x86: {  	_ =	shalt  }

</sc_bundles>
